<compile_context>
chip_gen: v7x
topology: tpu7x:2x2x1
jax: 0.10.2.dev20260603
libtpu: 0.0.44.dev20260713+nightly
codegen_flags: <defaults>
</compile_context>

<pallas_src>
import functools

import jax
import jax.numpy as jnp
from jax import lax
from jax.experimental import pallas as pl
from jax.experimental.pallas import tpu as pltpu
from jax.experimental.pallas import tpu_sc as plsc

N = 10000
E = 320000
D_IN = 128
D_HID = 128
D_OUT = 64

NC = 2
NS = 16
CHUNK = 128
NBUF = 4
TILE_ROWS = 160
ROWS_VIEW = NS * TILE_ROWS
E_PAD = ROWS_VIEW * CHUNK
DEG_W = 16

SLAB = 624
SLAB_LAST = N - SLAB * (NS - 1)
SLAB_LAST_OFS = SLAB * (NS - 1)
DSLAB = 1248
DSLAB_LAST = 2 * N - DSLAB * (NS - 1)
DSLAB_LAST_OFS = DSLAB * (NS - 1)


@functools.cache
def _sc_kernels():
    mesh = plsc.VectorSubcoreMesh(
        core_axis_name="c", subcore_axis_name="s",
        num_cores=NC, num_subcores=NS)
    params = pltpu.CompilerParams(use_tc_tiling_on_sc=False)

    @functools.partial(
        pl.kernel,
        out_type=jax.ShapeDtypeStruct((2, 2 * N, DEG_W), jnp.float32),
        mesh=mesh,
        compiler_params=params,
        scratch_types=[
            pltpu.VMEM_SHARED((2 * N + 8, DEG_W), jnp.float32),
            pltpu.VMEM_SHARED((2 * N + 8, DEG_W), jnp.float32),
            pltpu.VMEM((TILE_ROWS, CHUNK), jnp.int32),
            pltpu.VMEM((TILE_ROWS, CHUNK), jnp.int32),
            pltpu.VMEM((CHUNK, DEG_W), jnp.float32),
        ],
    )
    def deg_kernel(src_hbm, dst_hbm, ones_hbm, zeros_hbm, cnt_hbm,
                   acc_out, acc_in, sidx, didx, ones_v):
        c = lax.axis_index("c")
        s = lax.axis_index("s")

        row0 = c * ROWS_VIEW + s * TILE_ROWS
        pltpu.sync_copy(src_hbm.at[pl.ds(row0, TILE_ROWS)], sidx)
        pltpu.sync_copy(dst_hbm.at[pl.ds(row0, TILE_ROWS)], didx)
        pltpu.sync_copy(ones_hbm, ones_v)

        @pl.when(s < NS - 1)
        def _():
            pltpu.sync_copy(zeros_hbm.at[pl.ds(0, DSLAB)],
                            acc_out.at[pl.ds(s * DSLAB, DSLAB)])
            pltpu.sync_copy(zeros_hbm.at[pl.ds(0, DSLAB)],
                            acc_in.at[pl.ds(s * DSLAB, DSLAB)])

        @pl.when(s == NS - 1)
        def _():
            pltpu.sync_copy(zeros_hbm,
                            acc_out.at[pl.ds(DSLAB_LAST_OFS, DSLAB_LAST)])
            pltpu.sync_copy(zeros_hbm,
                            acc_in.at[pl.ds(DSLAB_LAST_OFS, DSLAB_LAST)])

        plsc.subcore_barrier()

        def chunk(j, carry):
            pltpu.sync_copy(ones_v, acc_out.at[sidx.at[j]], add=True)
            pltpu.sync_copy(ones_v, acc_in.at[didx.at[j]], add=True)
            return carry

        lax.fori_loop(0, TILE_ROWS, chunk, 0)
        plsc.subcore_barrier()

        @pl.when(s < NS - 1)
        def _():
            r0 = c * N + s * SLAB
            pltpu.sync_copy(acc_out.at[pl.ds(r0, SLAB)],
                            cnt_hbm.at[0, pl.ds(r0, SLAB)])
            pltpu.sync_copy(acc_in.at[pl.ds(r0, SLAB)],
                            cnt_hbm.at[1, pl.ds(r0, SLAB)])

        @pl.when(s == NS - 1)
        def _():
            r0 = c * N + SLAB_LAST_OFS
            pltpu.sync_copy(acc_out.at[pl.ds(r0, SLAB_LAST)],
                            cnt_hbm.at[0, pl.ds(r0, SLAB_LAST)])
            pltpu.sync_copy(acc_in.at[pl.ds(r0, SLAB_LAST)],
                            cnt_hbm.at[1, pl.ds(r0, SLAB_LAST)])

    def make_spmm(d):
        @functools.partial(
            pl.kernel,
            out_type=jax.ShapeDtypeStruct((2 * N, d), jnp.float32),
            mesh=mesh,
            compiler_params=params,
            scratch_types=[
                pltpu.VMEM_SHARED((N + 8, d), jnp.float32),
                pltpu.VMEM((CHUNK,), jnp.int32),
                pltpu.VMEM((CHUNK,), jnp.int32),
                pltpu.VMEM((CHUNK, d), jnp.float32),
                pltpu.SemaphoreType.DMA,
            ],
        )
        def spmm(src_hbm, dst_hbm, g_hbm, zeros_hbm, out_hbm,
                 acc, sidx, didx, rows, gsem):
            c = lax.axis_index("c")
            s = lax.axis_index("s")
            row0 = c * ROWS_VIEW + s * TILE_ROWS

            @pl.when(s < NS - 1)
            def _():
                pltpu.sync_copy(zeros_hbm.at[pl.ds(0, SLAB)],
                                acc.at[pl.ds(s * SLAB, SLAB)])

            @pl.when(s == NS - 1)
            def _():
                pltpu.sync_copy(zeros_hbm,
                                acc.at[pl.ds(SLAB_LAST_OFS, SLAB_LAST)])

            plsc.subcore_barrier()

            def chunk(j, carry):
                off = (row0 + j) * CHUNK
                pltpu.sync_copy(src_hbm.at[pl.ds(off, CHUNK)], sidx)
                pltpu.sync_copy(dst_hbm.at[pl.ds(off, CHUNK)], didx)
                pltpu.async_copy(g_hbm.at[sidx], rows, gsem).wait()
                pltpu.sync_copy(rows, acc.at[didx], add=True)
                return carry

            lax.fori_loop(0, TILE_ROWS, chunk, 0)
            plsc.subcore_barrier()

            @pl.when(s < NS - 1)
            def _():
                r0 = s * SLAB
                pltpu.sync_copy(acc.at[pl.ds(r0, SLAB)],
                                out_hbm.at[pl.ds(c * N + r0, SLAB)])

            @pl.when(s == NS - 1)
            def _():
                pltpu.sync_copy(
                    acc.at[pl.ds(SLAB_LAST_OFS, SLAB_LAST)],
                    out_hbm.at[pl.ds(c * N + SLAB_LAST_OFS, SLAB_LAST)])

        return spmm

    return deg_kernel, make_spmm(D_HID), make_spmm(D_OUT)


def _rsqrt_deg(cnt_block):
    return lax.rsqrt(jnp.maximum(cnt_block[0, :, :1], 1.0))


RB = 1000


def _mm1_body(x_ref, w_ref, cnt_ref, o_ref):
    r = _rsqrt_deg(cnt_ref[...])
    o_ref[...] = jax.lax.dot(
        x_ref[...], w_ref[0], preferred_element_type=jnp.float32) * r


def _mm1(X, W1s, cnts):
    return pl.pallas_call(
        _mm1_body,
        grid=(2, N // RB),
        in_specs=[
            pl.BlockSpec((RB, D_IN), lambda v, i: (i, 0)),
            pl.BlockSpec((1, D_IN, D_HID), lambda v, i: (v, 0, 0)),
            pl.BlockSpec((1, RB, DEG_W), lambda v, i: (0, v * (N // RB) + i, 0)),
        ],
        out_specs=pl.BlockSpec((RB, D_HID), lambda v, i: (v * (N // RB) + i, 0)),
        out_shape=jax.ShapeDtypeStruct((2 * N, D_HID), jnp.float32),
    )(X, W1s, cnts)


def _mid_body(a0_ref, a1_ref, ci0_ref, ci1_ref, b1s_ref,
              w2_ref, co_ref, o_ref):
    h0 = jnp.maximum(
        a0_ref[...] * _rsqrt_deg(ci0_ref[...]) + b1s_ref[0][None], 0.0)
    h1 = jnp.maximum(
        a1_ref[...] * _rsqrt_deg(ci1_ref[...]) + b1s_ref[1][None], 0.0)
    h = (h0 + h1) * 0.5
    o_ref[...] = jax.lax.dot(
        h, w2_ref[0], preferred_element_type=jnp.float32
    ) * _rsqrt_deg(co_ref[...])


def _mid(agg1, cnts, b1s, W2s):
    nb = N // RB
    return pl.pallas_call(
        _mid_body,
        grid=(2, nb),
        in_specs=[
            pl.BlockSpec((RB, D_HID), lambda v, i: (i, 0)),
            pl.BlockSpec((RB, D_HID), lambda v, i: (nb + i, 0)),
            pl.BlockSpec((1, RB, DEG_W), lambda v, i: (1, i, 0)),
            pl.BlockSpec((1, RB, DEG_W), lambda v, i: (1, nb + i, 0)),
            pl.BlockSpec((2, D_HID), lambda v, i: (0, 0)),
            pl.BlockSpec((1, D_HID, D_OUT), lambda v, i: (v, 0, 0)),
            pl.BlockSpec((1, RB, DEG_W), lambda v, i: (0, v * nb + i, 0)),
        ],
        out_specs=pl.BlockSpec((RB, D_OUT), lambda v, i: (v * nb + i, 0)),
        out_shape=jax.ShapeDtypeStruct((2 * N, D_OUT), jnp.float32),
    )(agg1, agg1, cnts, cnts, b1s, W2s, cnts)


def _fin_body(a0_ref, a1_ref, ci0_ref, ci1_ref, b2s_ref, o_ref):
    y0 = a0_ref[...] * _rsqrt_deg(ci0_ref[...]) + b2s_ref[0][None]
    y1 = a1_ref[...] * _rsqrt_deg(ci1_ref[...]) + b2s_ref[1][None]
    o_ref[...] = (y0 + y1) * 0.5


def _fin(agg2, cnts, b2s):
    nb = N // RB
    return pl.pallas_call(
        _fin_body,
        grid=(nb,),
        in_specs=[
            pl.BlockSpec((RB, D_OUT), lambda i: (i, 0)),
            pl.BlockSpec((RB, D_OUT), lambda i: (nb + i, 0)),
            pl.BlockSpec((1, RB, DEG_W), lambda i: (1, i, 0)),
            pl.BlockSpec((1, RB, DEG_W), lambda i: (1, nb + i, 0)),
            pl.BlockSpec((2, D_OUT), lambda i: (0, 0)),
        ],
        out_specs=pl.BlockSpec((RB, D_OUT), lambda i: (i, 0)),
        out_shape=jax.ShapeDtypeStruct((N, D_OUT), jnp.float32),
    )(agg2, agg2, cnts, cnts, b2s)


@jax.jit
def kernel(X, edge_index_v0, edge_index_v1, W1_v0, b1_v0, W1_v1, b1_v1,
           W2_v0, b2_v0, W2_v1, b2_v1):
    s0, d0 = edge_index_v0[0], edge_index_v0[1]
    s1, d1 = edge_index_v1[0], edge_index_v1[1]
    npad = E_PAD - E
    pad_deg = jnp.full((npad,), 2 * N, jnp.int32)
    pad_gat = jnp.zeros((npad,), jnp.int32)
    pad_sct = jnp.full((npad,), N, jnp.int32)
    rows2 = (2 * ROWS_VIEW, CHUNK)
    src_deg = jnp.concatenate([s0, pad_deg, s1 + N, pad_deg]).reshape(rows2)
    dst_deg = jnp.concatenate([d0, pad_deg, d1 + N, pad_deg]).reshape(rows2)
    src_gat = jnp.concatenate([s0, pad_gat, s1 + N, pad_gat])
    dst_sct = jnp.concatenate([d0, pad_sct, d1, pad_sct])

    ones_deg = jnp.ones((CHUNK, DEG_W), jnp.float32)
    zeros_deg = jnp.zeros((DSLAB_LAST, DEG_W), jnp.float32)
    zeros_hid = jnp.zeros((SLAB_LAST, D_HID), jnp.float32)
    zeros_out = jnp.zeros((SLAB_LAST, D_OUT), jnp.float32)

    W1s = jnp.stack([W1_v0, W1_v1])
    W2s = jnp.stack([W2_v0, W2_v1])
    b1s = jnp.stack([b1_v0, b1_v1])
    b2s = jnp.stack([b2_v0, b2_v1])

    deg_kernel, spmm_hid, spmm_out = _sc_kernels()
    cnts = deg_kernel(src_deg, dst_deg, ones_deg, zeros_deg)
    g1 = _mm1(X, W1s, cnts)
    agg1 = spmm_hid(src_gat, dst_sct, g1, zeros_hid)
    g2 = _mid(agg1, cnts, b1s, W2s)
    agg2 = spmm_out(src_gat, dst_sct, g2, zeros_out)
    return _fin(agg2, cnts, b2s)

# --- scband reference (transcript-rebuilt; emitter-appended) ---
"""Pipeline reference for scband-model-46548855554724 (READ-ONLY COPY).

The authoritative reference and input builder live on the scoring server;
editing this copy changes nothing except your own understanding.
"""

import jax, jax.numpy as jnp
import numpy as np

N = 10000
E = 320000
D_IN = 128
D_HID = 128
D_OUT = 64


def setup_inputs(seed: int = 0) -> dict:
    key = jax.random.key(seed)
    ks = jax.random.split(key, 12)
    X = jax.random.normal(ks[0], (N, D_IN), dtype=jnp.float32)
    edge_index_v0 = jax.random.randint(ks[1], (2, E), 0, N, dtype=jnp.int32)
    edge_index_v1 = jax.random.randint(ks[2], (2, E), 0, N, dtype=jnp.int32)
    # GraphConv params per view, layer 1 (in_dim -> hid_dim) and layer 2 (hid_dim -> out_dim)
    s1 = 1.0 / np.sqrt(D_IN)
    s2 = 1.0 / np.sqrt(D_HID)
    W1_v0 = jax.random.normal(ks[3], (D_IN, D_HID), dtype=jnp.float32) * s1
    W1_v1 = jax.random.normal(ks[4], (D_IN, D_HID), dtype=jnp.float32) * s1
    b1_v0 = jnp.zeros((D_HID,), dtype=jnp.float32)
    b1_v1 = jnp.zeros((D_HID,), dtype=jnp.float32)
    W2_v0 = jax.random.normal(ks[5], (D_HID, D_OUT), dtype=jnp.float32) * s2
    W2_v1 = jax.random.normal(ks[6], (D_HID, D_OUT), dtype=jnp.float32) * s2
    b2_v0 = jnp.zeros((D_OUT,), dtype=jnp.float32)
    b2_v1 = jnp.zeros((D_OUT,), dtype=jnp.float32)
    return {
        "X": X,
        "edge_index_v0": edge_index_v0,
        "edge_index_v1": edge_index_v1,
        "W1_v0": W1_v0, "b1_v0": b1_v0,
        "W1_v1": W1_v1, "b1_v1": b1_v1,
        "W2_v0": W2_v0, "b2_v0": b2_v0,
        "W2_v1": W2_v1, "b2_v1": b2_v1,
    }


def _graph_conv(X, src, dst, W, b):
    # DGL GraphConv with norm='both': D^{-1/2} A D^{-1/2} X W + b
    n = X.shape[0]
    e = src.shape[0]
    ones = jnp.ones((e,), dtype=X.dtype)
    deg_out = jnp.maximum(jax.ops.segment_sum(ones, src, num_segments=n), 1.0)
    deg_in = jnp.maximum(jax.ops.segment_sum(ones, dst, num_segments=n), 1.0)
    h = X * jax.lax.rsqrt(deg_out)[:, None]
    h = h @ W
    msgs = jnp.take(h, src, axis=0)
    agg = jax.ops.segment_sum(msgs, dst, num_segments=n)
    agg = agg * jax.lax.rsqrt(deg_in)[:, None]
    return agg + b


def reference(X, edge_index_v0, edge_index_v1, W1_v0, b1_v0, W1_v1, b1_v1, W2_v0, b2_v0, W2_v1, b2_v1):
    s0, d0 = edge_index_v0[0], edge_index_v0[1]
    s1, d1 = edge_index_v1[0], edge_index_v1[1]
    # RGCNLayer 1: per-view GraphConv with ReLU activation, then mean over views
    h0 = jax.nn.relu(_graph_conv(X, s0, d0, W1_v0, b1_v0))
    h1 = jax.nn.relu(_graph_conv(X, s1, d1, W1_v1, b1_v1))
    h = (h0 + h1) * 0.5
    # dropout p=0.0 (eval) -> identity
    # RGCNLayer 2: per-view GraphConv (no activation), then mean over views
    o0 = _graph_conv(h, s0, d0, W2_v0, b2_v0)
    o1 = _graph_conv(h, s1, d1, W2_v1, b2_v1)
    return (o0 + o1) * 0.5

if __name__ == "__main__":
    import jax
    _d = setup_inputs()
    print(jax.jit(kernel)(*tuple(_d.values())))

</pallas_src>

<mosaic_0001>
#map = affine_map<(d0, d1) -> (0, 0)>
#map1 = affine_map<(d0, d1) -> (0, 0, 0)>
module attributes {stable_mosaic.version = 14 : i64} {
  func.func @deg_kernel(%arg0: i32, %arg1: i32, %arg2: memref<5120x128xi32, #tpu.memory_space<hbm>>, %arg3: memref<5120x128xi32, #tpu.memory_space<hbm>>, %arg4: memref<128x16xf32, #tpu.memory_space<hbm>>, %arg5: memref<1280x16xf32, #tpu.memory_space<hbm>>, %arg6: memref<2x20000x16xf32, #tpu.memory_space<hbm>>, %arg7: memref<20008x16xf32, #tpu.memory_space<vmem_shared>>, %arg8: memref<20008x16xf32, #tpu.memory_space<vmem_shared>>, %arg9: memref<160x128xi32, #tpu.memory_space<vmem>>, %arg10: memref<160x128xi32, #tpu.memory_space<vmem>>, %arg11: memref<128x16xf32, #tpu.memory_space<vmem>>) attributes {dimension_semantics = [#tpu.dimension_semantics<core_parallel>, #tpu.dimension_semantics<subcore_parallel>], iteration_bounds = array<i64: 2, 16>, scalar_prefetch = 0 : i64, scratch_operands = 5 : i64, tpu.core_type = #tpu.core_type<sc_vector_subcore>, window_params = [{transform_indices = #map}, {transform_indices = #map}, {transform_indices = #map}, {transform_indices = #map}, {transform_indices = #map1}]} {
    %mul3A = arith.constant 2560 : i32
    %mul3A_0 = arith.muli %arg0, %mul3A : i32
    %mul3A_1 = arith.constant 160 : i32
    %mul3A_2 = arith.muli %arg1, %mul3A_1 : i32
    %add3A = arith.addi %mul3A_0, %mul3A_2 : i32
    "tpu.region"() ({
      %run_scoped3A = tpu.sem_alloc : memref<!tpu.dma_semaphore, #tpu.memory_space<semaphore_mem>>
      %dma_start3A = arith.constant 0 : i32
      %dma_start3A_25 = tpu.memref_slice %arg2[%add3A, %dma_start3A] : memref<5120x128xi32, #tpu.memory_space<hbm>> -> memref<160x128xi32, #tpu.memory_space<hbm>>
      %dma_start3A_26 = arith.constant 0 : i32
      %dma_start3A_27 = tpu.memref_slice %arg2[%add3A, %dma_start3A_26] : memref<5120x128xi32, #tpu.memory_space<hbm>> -> memref<160x128xi32, #tpu.memory_space<hbm>>
      tpu.enqueue_dma source(%dma_start3A_27 : memref<160x128xi32, #tpu.memory_space<hbm>>) target(%arg9 : memref<160x128xi32, #tpu.memory_space<vmem>>) target_semaphore(%run_scoped3A : memref<!tpu.dma_semaphore, #tpu.memory_space<semaphore_mem>>)
      %dma_wait3A = arith.constant 0 : i32
      %dma_wait3A_28 = tpu.memref_slice %arg2[%add3A, %dma_wait3A] : memref<5120x128xi32, #tpu.memory_space<hbm>> -> memref<160x128xi32, #tpu.memory_space<hbm>>
      %dma_wait3A_29 = arith.constant 0 : i32
      %dma_wait3A_30 = tpu.memref_slice %arg2[%add3A, %dma_wait3A_29] : memref<5120x128xi32, #tpu.memory_space<hbm>> -> memref<160x128xi32, #tpu.memory_space<hbm>>
      tpu.wait_dma2 semaphore(%run_scoped3A : memref<!tpu.dma_semaphore, #tpu.memory_space<semaphore_mem>>) src(%dma_wait3A_30 : memref<160x128xi32, #tpu.memory_space<hbm>>) dst(%arg9 : memref<160x128xi32, #tpu.memory_space<vmem>>)
      tpu.yield
    }) : () -> ()
    "tpu.region"() ({
      %run_scoped3A = tpu.sem_alloc : memref<!tpu.dma_semaphore, #tpu.memory_space<semaphore_mem>>
      %dma_start3A = arith.constant 0 : i32
      %dma_start3A_25 = tpu.memref_slice %arg3[%add3A, %dma_start3A] : memref<5120x128xi32, #tpu.memory_space<hbm>> -> memref<160x128xi32, #tpu.memory_space<hbm>>
      %dma_start3A_26 = arith.constant 0 : i32
      %dma_start3A_27 = tpu.memref_slice %arg3[%add3A, %dma_start3A_26] : memref<5120x128xi32, #tpu.memory_space<hbm>> -> memref<160x128xi32, #tpu.memory_space<hbm>>
      tpu.enqueue_dma source(%dma_start3A_27 : memref<160x128xi32, #tpu.memory_space<hbm>>) target(%arg10 : memref<160x128xi32, #tpu.memory_space<vmem>>) target_semaphore(%run_scoped3A : memref<!tpu.dma_semaphore, #tpu.memory_space<semaphore_mem>>)
      %dma_wait3A = arith.constant 0 : i32
      %dma_wait3A_28 = tpu.memref_slice %arg3[%add3A, %dma_wait3A] : memref<5120x128xi32, #tpu.memory_space<hbm>> -> memref<160x128xi32, #tpu.memory_space<hbm>>
      %dma_wait3A_29 = arith.constant 0 : i32
      %dma_wait3A_30 = tpu.memref_slice %arg3[%add3A, %dma_wait3A_29] : memref<5120x128xi32, #tpu.memory_space<hbm>> -> memref<160x128xi32, #tpu.memory_space<hbm>>
      tpu.wait_dma2 semaphore(%run_scoped3A : memref<!tpu.dma_semaphore, #tpu.memory_space<semaphore_mem>>) src(%dma_wait3A_30 : memref<160x128xi32, #tpu.memory_space<hbm>>) dst(%arg10 : memref<160x128xi32, #tpu.memory_space<vmem>>)
      tpu.yield
    }) : () -> ()
    "tpu.region"() ({
      %run_scoped3A = tpu.sem_alloc : memref<!tpu.dma_semaphore, #tpu.memory_space<semaphore_mem>>
      tpu.enqueue_dma source(%arg4 : memref<128x16xf32, #tpu.memory_space<hbm>>) target(%arg11 : memref<128x16xf32, #tpu.memory_space<vmem>>) target_semaphore(%run_scoped3A : memref<!tpu.dma_semaphore, #tpu.memory_space<semaphore_mem>>)
      tpu.wait_dma2 semaphore(%run_scoped3A : memref<!tpu.dma_semaphore, #tpu.memory_space<semaphore_mem>>) src(%arg4 : memref<128x16xf32, #tpu.memory_space<hbm>>) dst(%arg11 : memref<128x16xf32, #tpu.memory_space<vmem>>)
      tpu.yield
    }) : () -> ()
    %lt3A = arith.constant 15 : i32
    %lt3A_3 = arith.cmpi slt, %arg1, %lt3A : i32
    %convert_element_type3A = arith.extui %lt3A_3 : i1 to i32
    %cond3A = arith.constant 0 : i32
    %cond3A_4 = arith.cmpi ne, %convert_element_type3A, %cond3A : i32
    scf.if %cond3A_4 {
      %mul3A_25 = arith.constant 1248 : i32
      %mul3A_26 = arith.muli %arg1, %mul3A_25 : i32
      "tpu.region"() ({
        %run_scoped3A = tpu.sem_alloc : memref<!tpu.dma_semaphore, #tpu.memory_space<semaphore_mem>>
        %dma_start3A = arith.constant 0 : i32
        %dma_start3A_29 = tpu.memref_slice %arg7[%mul3A_26, %dma_start3A] : memref<20008x16xf32, #tpu.memory_space<vmem_shared>> -> memref<1248x16xf32, #tpu.memory_space<vmem_shared>>
        %dma_start3A_30 = arith.constant 0 : i32
        %dma_start3A_31 = arith.constant 0 : i32
        %dma_start3A_32 = tpu.memref_slice %arg5[%dma_start3A_30, %dma_start3A_31] : memref<1280x16xf32, #tpu.memory_space<hbm>> -> memref<1248x16xf32, #tpu.memory_space<hbm>>
        tpu.enqueue_dma source(%dma_start3A_32 : memref<1248x16xf32, #tpu.memory_space<hbm>>) target(%dma_start3A_29 : memref<1248x16xf32, #tpu.memory_space<vmem_shared>>) target_semaphore(%run_scoped3A : memref<!tpu.dma_semaphore, #tpu.memory_space<semaphore_mem>>)
        %dma_wait3A = arith.constant 0 : i32
        %dma_wait3A_33 = tpu.memref_slice %arg7[%mul3A_26, %dma_wait3A] : memref<20008x16xf32, #tpu.memory_space<vmem_shared>> -> memref<1248x16xf32, #tpu.memory_space<vmem_shared>>
        %dma_wait3A_34 = arith.constant 0 : i32
        %dma_wait3A_35 = arith.constant 0 : i32
        %dma_wait3A_36 = tpu.memref_slice %arg5[%dma_wait3A_34, %dma_wait3A_35] : memref<1280x16xf32, #tpu.memory_space<hbm>> -> memref<1248x16xf32, #tpu.memory_space<hbm>>
        tpu.wait_dma2 semaphore(%run_scoped3A : memref<!tpu.dma_semaphore, #tpu.memory_space<semaphore_mem>>) src(%dma_wait3A_36 : memref<1248x16xf32, #tpu.memory_space<hbm>>) dst(%dma_wait3A_33 : memref<1248x16xf32, #tpu.memory_space<vmem_shared>>)
        tpu.yield
      }) : () -> ()
      %mul3A_27 = arith.constant 1248 : i32
      %mul3A_28 = arith.muli %arg1, %mul3A_27 : i32
      "tpu.region"() ({
        %run_scoped3A = tpu.sem_alloc : memref<!tpu.dma_semaphore, #tpu.memory_space<semaphore_mem>>
        %dma_start3A = arith.constant 0 : i32
        %dma_start3A_29 = tpu.memref_slice %arg8[%mul3A_28, %dma_start3A] : memref<20008x16xf32, #tpu.memory_space<vmem_shared>> -> memref<1248x16xf32, #tpu.memory_space<vmem_shared>>
        %dma_start3A_30 = arith.constant 0 : i32
        %dma_start3A_31 = arith.constant 0 : i32
        %dma_start3A_32 = tpu.memref_slice %arg5[%dma_start3A_30, %dma_start3A_31] : memref<1280x16xf32, #tpu.memory_space<hbm>> -> memref<1248x16xf32, #tpu.memory_space<hbm>>
        tpu.enqueue_dma source(%dma_start3A_32 : memref<1248x16xf32, #tpu.memory_space<hbm>>) target(%dma_start3A_29 : memref<1248x16xf32, #tpu.memory_space<vmem_shared>>) target_semaphore(%run_scoped3A : memref<!tpu.dma_semaphore, #tpu.memory_space<semaphore_mem>>)
        %dma_wait3A = arith.constant 0 : i32
        %dma_wait3A_33 = tpu.memref_slice %arg8[%mul3A_28, %dma_wait3A] : memref<20008x16xf32, #tpu.memory_space<vmem_shared>> -> memref<1248x16xf32, #tpu.memory_space<vmem_shared>>
        %dma_wait3A_34 = arith.constant 0 : i32
        %dma_wait3A_35 = arith.constant 0 : i32
        %dma_wait3A_36 = tpu.memref_slice %arg5[%dma_wait3A_34, %dma_wait3A_35] : memref<1280x16xf32, #tpu.memory_space<hbm>> -> memref<1248x16xf32, #tpu.memory_space<hbm>>
        tpu.wait_dma2 semaphore(%run_scoped3A : memref<!tpu.dma_semaphore, #tpu.memory_space<semaphore_mem>>) src(%dma_wait3A_36 : memref<1248x16xf32, #tpu.memory_space<hbm>>) dst(%dma_wait3A_33 : memref<1248x16xf32, #tpu.memory_space<vmem_shared>>)
        tpu.yield
      }) : () -> ()
    } else {
    }
    %eq3A = arith.constant 15 : i32
    %eq3A_5 = arith.cmpi eq, %arg1, %eq3A : i32
    %convert_element_type3A_6 = arith.extui %eq3A_5 : i1 to i32
    %cond3A_7 = arith.constant 0 : i32
    %cond3A_8 = arith.cmpi ne, %convert_element_type3A_6, %cond3A_7 : i32
    scf.if %cond3A_8 {
      "tpu.region"() ({
        %run_scoped3A = tpu.sem_alloc : memref<!tpu.dma_semaphore, #tpu.memory_space<semaphore_mem>>
        %dma_start3A = arith.constant 18720 : i32
        %dma_start3A_25 = arith.constant 0 : i32
        %dma_start3A_26 = tpu.memref_slice %arg7[%dma_start3A, %dma_start3A_25] : memref<20008x16xf32, #tpu.memory_space<vmem_shared>> -> memref<1280x16xf32, #tpu.memory_space<vmem_shared>>
        tpu.enqueue_dma source(%arg5 : memref<1280x16xf32, #tpu.memory_space<hbm>>) target(%dma_start3A_26 : memref<1280x16xf32, #tpu.memory_space<vmem_shared>>) target_semaphore(%run_scoped3A : memref<!tpu.dma_semaphore, #tpu.memory_space<semaphore_mem>>)
        %dma_wait3A = arith.constant 18720 : i32
        %dma_wait3A_27 = arith.constant 0 : i32
        %dma_wait3A_28 = tpu.memref_slice %arg7[%dma_wait3A, %dma_wait3A_27] : memref<20008x16xf32, #tpu.memory_space<vmem_shared>> -> memref<1280x16xf32, #tpu.memory_space<vmem_shared>>
        tpu.wait_dma2 semaphore(%run_scoped3A : memref<!tpu.dma_semaphore, #tpu.memory_space<semaphore_mem>>) src(%arg5 : memref<1280x16xf32, #tpu.memory_space<hbm>>) dst(%dma_wait3A_28 : memref<1280x16xf32, #tpu.memory_space<vmem_shared>>)
        tpu.yield
      }) : () -> ()
      "tpu.region"() ({
        %run_scoped3A = tpu.sem_alloc : memref<!tpu.dma_semaphore, #tpu.memory_space<semaphore_mem>>
        %dma_start3A = arith.constant 18720 : i32
        %dma_start3A_25 = arith.constant 0 : i32
        %dma_start3A_26 = tpu.memref_slice %arg8[%dma_start3A, %dma_start3A_25] : memref<20008x16xf32, #tpu.memory_space<vmem_shared>> -> memref<1280x16xf32, #tpu.memory_space<vmem_shared>>
        tpu.enqueue_dma source(%arg5 : memref<1280x16xf32, #tpu.memory_space<hbm>>) target(%dma_start3A_26 : memref<1280x16xf32, #tpu.memory_space<vmem_shared>>) target_semaphore(%run_scoped3A : memref<!tpu.dma_semaphore, #tpu.memory_space<semaphore_mem>>)
        %dma_wait3A = arith.constant 18720 : i32
        %dma_wait3A_27 = arith.constant 0 : i32
        %dma_wait3A_28 = tpu.memref_slice %arg8[%dma_wait3A, %dma_wait3A_27] : memref<20008x16xf32, #tpu.memory_space<vmem_shared>> -> memref<1280x16xf32, #tpu.memory_space<vmem_shared>>
        tpu.wait_dma2 semaphore(%run_scoped3A : memref<!tpu.dma_semaphore, #tpu.memory_space<semaphore_mem>>) src(%arg5 : memref<1280x16xf32, #tpu.memory_space<hbm>>) dst(%dma_wait3A_28 : memref<1280x16xf32, #tpu.memory_space<vmem_shared>>)
        tpu.yield
      }) : () -> ()
    } else {
    }
    %barrier3A = arith.constant 0 : index
    tpu.barrier barrier_id(%barrier3A)
    %scan3A = arith.constant 0 : i32
    %scan3A_9 = arith.constant 0 : i32
    %scan3A_10 = arith.constant 160 : i32
    %scan3A_11 = arith.addi %scan3A_9, %scan3A_10 : i32
    %scan3A_12 = arith.constant 1 : i32
    scf.for %scan3A_25 = %scan3A_9 to %scan3A_11 step %scan3A_12  : i32 {
      "tpu.region"() ({
        %run_scoped3A = tpu.sem_alloc : memref<!tpu.dma_semaphore, #tpu.memory_space<semaphore_mem>>
        %dma_start3A = arith.constant 0 : i32
        %dma_start3A_26 = tpu.memref_slice %arg9[%scan3A_25, %dma_start3A] : memref<160x128xi32, #tpu.memory_space<vmem>> -> memref<1x128xi32, #tpu.memory_space<vmem>>
        %dma_start3A_27 = tpu.memref_squeeze %dma_start3A_26 : memref<1x128xi32, #tpu.memory_space<vmem>> -> memref<128xi32, #tpu.memory_space<vmem>>
        %dma_start3A_28 = arith.constant 0 : i32
        %dma_start3A_29 = arith.constant 0 : i32
        %dma_start3A_30 = tpu.memref_slice %arg7[%dma_start3A_28, %dma_start3A_29] : memref<20008x16xf32, #tpu.memory_space<vmem_shared>> -> memref<20008x16xf32, #tpu.memory_space<vmem_shared>>
        tpu.enqueue_indirect_dma source(%arg11 : memref<128x16xf32, #tpu.memory_space<vmem>>) target(%dma_start3A_30 : memref<20008x16xf32, #tpu.memory_space<vmem_shared>>) offsets(%dma_start3A_27 : memref<128xi32, #tpu.memory_space<vmem>>) semaphore(%run_scoped3A : memref<!tpu.dma_semaphore, #tpu.memory_space<semaphore_mem>>) {add = true}
        %dma_wait3A = arith.constant 0 : i32
        %dma_wait3A_31 = tpu.memref_slice %arg9[%scan3A_25, %dma_wait3A] : memref<160x128xi32, #tpu.memory_space<vmem>> -> memref<1x128xi32, #tpu.memory_space<vmem>>
        %dma_wait3A_32 = tpu.memref_squeeze %dma_wait3A_31 : memref<1x128xi32, #tpu.memory_space<vmem>> -> memref<128xi32, #tpu.memory_space<vmem>>
        %dma_wait3A_33 = arith.constant 0 : i32
        %dma_wait3A_34 = arith.constant 0 : i32
        %dma_wait3A_35 = tpu.memref_slice %arg7[%dma_wait3A_33, %dma_wait3A_34] : memref<20008x16xf32, #tpu.memory_space<vmem_shared>> -> memref<20008x16xf32, #tpu.memory_space<vmem_shared>>
        tpu.wait_indirect_dma semaphore(%run_scoped3A : memref<!tpu.dma_semaphore, #tpu.memory_space<semaphore_mem>>) src(%arg11 : memref<128x16xf32, #tpu.memory_space<vmem>>) dst(%dma_wait3A_35 : memref<20008x16xf32, #tpu.memory_space<vmem_shared>>)
        tpu.yield
      }) : () -> ()
      "tpu.region"() ({
        %run_scoped3A = tpu.sem_alloc : memref<!tpu.dma_semaphore, #tpu.memory_space<semaphore_mem>>
        %dma_start3A = arith.constant 0 : i32
        %dma_start3A_26 = tpu.memref_slice %arg10[%scan3A_25, %dma_start3A] : memref<160x128xi32, #tpu.memory_space<vmem>> -> memref<1x128xi32, #tpu.memory_space<vmem>>
        %dma_start3A_27 = tpu.memref_squeeze %dma_start3A_26 : memref<1x128xi32, #tpu.memory_space<vmem>> -> memref<128xi32, #tpu.memory_space<vmem>>
        %dma_start3A_28 = arith.constant 0 : i32
        %dma_start3A_29 = arith.constant 0 : i32
        %dma_start3A_30 = tpu.memref_slice %arg8[%dma_start3A_28, %dma_start3A_29] : memref<20008x16xf32, #tpu.memory_space<vmem_shared>> -> memref<20008x16xf32, #tpu.memory_space<vmem_shared>>
        tpu.enqueue_indirect_dma source(%arg11 : memref<128x16xf32, #tpu.memory_space<vmem>>) target(%dma_start3A_30 : memref<20008x16xf32, #tpu.memory_space<vmem_shared>>) offsets(%dma_start3A_27 : memref<128xi32, #tpu.memory_space<vmem>>) semaphore(%run_scoped3A : memref<!tpu.dma_semaphore, #tpu.memory_space<semaphore_mem>>) {add = true}
        %dma_wait3A = arith.constant 0 : i32
        %dma_wait3A_31 = tpu.memref_slice %arg10[%scan3A_25, %dma_wait3A] : memref<160x128xi32, #tpu.memory_space<vmem>> -> memref<1x128xi32, #tpu.memory_space<vmem>>
        %dma_wait3A_32 = tpu.memref_squeeze %dma_wait3A_31 : memref<1x128xi32, #tpu.memory_space<vmem>> -> memref<128xi32, #tpu.memory_space<vmem>>
        %dma_wait3A_33 = arith.constant 0 : i32
        %dma_wait3A_34 = arith.constant 0 : i32
        %dma_wait3A_35 = tpu.memref_slice %arg8[%dma_wait3A_33, %dma_wait3A_34] : memref<20008x16xf32, #tpu.memory_space<vmem_shared>> -> memref<20008x16xf32, #tpu.memory_space<vmem_shared>>
        tpu.wait_indirect_dma semaphore(%run_scoped3A : memref<!tpu.dma_semaphore, #tpu.memory_space<semaphore_mem>>) src(%arg11 : memref<128x16xf32, #tpu.memory_space<vmem>>) dst(%dma_wait3A_35 : memref<20008x16xf32, #tpu.memory_space<vmem_shared>>)
        tpu.yield
      }) : () -> ()
    }
    %scan3A_13 = arith.constant 160 : i32
    %barrier3A_14 = arith.constant 0 : index
    tpu.barrier barrier_id(%barrier3A_14)
    %lt3A_15 = arith.constant 15 : i32
    %lt3A_16 = arith.cmpi slt, %arg1, %lt3A_15 : i32
    %convert_element_type3A_17 = arith.extui %lt3A_16 : i1 to i32
    %cond3A_18 = arith.constant 0 : i32
    %cond3A_19 = arith.cmpi ne, %convert_element_type3A_17, %cond3A_18 : i32
    scf.if %cond3A_19 {
      %mul3A_25 = arith.constant 10000 : i32
      %mul3A_26 = arith.muli %arg0, %mul3A_25 : i32
      %mul3A_27 = arith.constant 624 : i32
      %mul3A_28 = arith.muli %arg1, %mul3A_27 : i32
      %add3A_29 = arith.addi %mul3A_26, %mul3A_28 : i32
      %run_scoped3A = arith.constant 0 : i32
      "tpu.region"() ({
        %run_scoped3A_31 = tpu.sem_alloc : memref<!tpu.dma_semaphore, #tpu.memory_space<semaphore_mem>>
        %dma_start3A = arith.constant 0 : i32
        %dma_start3A_32 = tpu.memref_slice %arg6[%run_scoped3A, %add3A_29, %dma_start3A] : memref<2x20000x16xf32, #tpu.memory_space<hbm>> -> memref<1x624x16xf32, #tpu.memory_space<hbm>>
        %dma_start3A_33 = tpu.memref_squeeze %dma_start3A_32 : memref<1x624x16xf32, #tpu.memory_space<hbm>> -> memref<624x16xf32, #tpu.memory_space<hbm>>
        %dma_start3A_34 = arith.constant 0 : i32
        %dma_start3A_35 = tpu.memref_slice %arg7[%add3A_29, %dma_start3A_34] : memref<20008x16xf32, #tpu.memory_space<vmem_shared>> -> memref<624x16xf32, #tpu.memory_space<vmem_shared>>
        tpu.enqueue_dma source(%dma_start3A_35 : memref<624x16xf32, #tpu.memory_space<vmem_shared>>) target(%dma_start3A_33 : memref<624x16xf32, #tpu.memory_space<hbm>>) target_semaphore(%run_scoped3A_31 : memref<!tpu.dma_semaphore, #tpu.memory_space<semaphore_mem>>)
        %dma_wait3A = arith.constant 0 : i32
        %dma_wait3A_36 = tpu.memref_slice %arg6[%run_scoped3A, %add3A_29, %dma_wait3A] : memref<2x20000x16xf32, #tpu.memory_space<hbm>> -> memref<1x624x16xf32, #tpu.memory_space<hbm>>
        %dma_wait3A_37 = tpu.memref_squeeze %dma_wait3A_36 : memref<1x624x16xf32, #tpu.memory_space<hbm>> -> memref<624x16xf32, #tpu.memory_space<hbm>>
        %dma_wait3A_38 = arith.constant 0 : i32
        %dma_wait3A_39 = tpu.memref_slice %arg7[%add3A_29, %dma_wait3A_38] : memref<20008x16xf32, #tpu.memory_space<vmem_shared>> -> memref<624x16xf32, #tpu.memory_space<vmem_shared>>
        tpu.wait_dma2 semaphore(%run_scoped3A_31 : memref<!tpu.dma_semaphore, #tpu.memory_space<semaphore_mem>>) src(%dma_wait3A_39 : memref<624x16xf32, #tpu.memory_space<vmem_shared>>) dst(%dma_wait3A_37 : memref<624x16xf32, #tpu.memory_space<hbm>>)
        tpu.yield
      }) : () -> ()
      %run_scoped3A_30 = arith.constant 1 : i32
      "tpu.region"() ({
        %run_scoped3A_31 = tpu.sem_alloc : memref<!tpu.dma_semaphore, #tpu.memory_space<semaphore_mem>>
        %dma_start3A = arith.constant 0 : i32
        %dma_start3A_32 = tpu.memref_slice %arg6[%run_scoped3A_30, %add3A_29, %dma_start3A] : memref<2x20000x16xf32, #tpu.memory_space<hbm>> -> memref<1x624x16xf32, #tpu.memory_space<hbm>>
        %dma_start3A_33 = tpu.memref_squeeze %dma_start3A_32 : memref<1x624x16xf32, #tpu.memory_space<hbm>> -> memref<624x16xf32, #tpu.memory_space<hbm>>
        %dma_start3A_34 = arith.constant 0 : i32
        %dma_start3A_35 = tpu.memref_slice %arg8[%add3A_29, %dma_start3A_34] : memref<20008x16xf32, #tpu.memory_space<vmem_shared>> -> memref<624x16xf32, #tpu.memory_space<vmem_shared>>
        tpu.enqueue_dma source(%dma_start3A_35 : memref<624x16xf32, #tpu.memory_space<vmem_shared>>) target(%dma_start3A_33 : memref<624x16xf32, #tpu.memory_space<hbm>>) target_semaphore(%run_scoped3A_31 : memref<!tpu.dma_semaphore, #tpu.memory_space<semaphore_mem>>)
        %dma_wait3A = arith.constant 0 : i32
        %dma_wait3A_36 = tpu.memref_slice %arg6[%run_scoped3A_30, %add3A_29, %dma_wait3A] : memref<2x20000x16xf32, #tpu.memory_space<hbm>> -> memref<1x624x16xf32, #tpu.memory_space<hbm>>
        %dma_wait3A_37 = tpu.memref_squeeze %dma_wait3A_36 : memref<1x624x16xf32, #tpu.memory_space<hbm>> -> memref<624x16xf32, #tpu.memory_space<hbm>>
        %dma_wait3A_38 = arith.constant 0 : i32
        %dma_wait3A_39 = tpu.memref_slice %arg8[%add3A_29, %dma_wait3A_38] : memref<20008x16xf32, #tpu.memory_space<vmem_shared>> -> memref<624x16xf32, #tpu.memory_space<vmem_shared>>
        tpu.wait_dma2 semaphore(%run_scoped3A_31 : memref<!tpu.dma_semaphore, #tpu.memory_space<semaphore_mem>>) src(%dma_wait3A_39 : memref<624x16xf32, #tpu.memory_space<vmem_shared>>) dst(%dma_wait3A_37 : memref<624x16xf32, #tpu.memory_space<hbm>>)
        tpu.yield
      }) : () -> ()
    } else {
    }
    %eq3A_20 = arith.constant 15 : i32
    %eq3A_21 = arith.cmpi eq, %arg1, %eq3A_20 : i32
    %convert_element_type3A_22 = arith.extui %eq3A_21 : i1 to i32
    %cond3A_23 = arith.constant 0 : i32
    %cond3A_24 = arith.cmpi ne, %convert_element_type3A_22, %cond3A_23 : i32
    scf.if %cond3A_24 {
      %mul3A_25 = arith.constant 10000 : i32
      %mul3A_26 = arith.muli %arg0, %mul3A_25 : i32
      %add3A_27 = arith.constant 9360 : i32
      %add3A_28 = arith.addi %mul3A_26, %add3A_27 : i32
      %run_scoped3A = arith.constant 0 : i32
      "tpu.region"() ({
        %run_scoped3A_30 = tpu.sem_alloc : memref<!tpu.dma_semaphore, #tpu.memory_space<semaphore_mem>>
        %dma_start3A = arith.constant 0 : i32
        %dma_start3A_31 = tpu.memref_slice %arg6[%run_scoped3A, %add3A_28, %dma_start3A] : memref<2x20000x16xf32, #tpu.memory_space<hbm>> -> memref<1x640x16xf32, #tpu.memory_space<hbm>>
        %dma_start3A_32 = tpu.memref_squeeze %dma_start3A_31 : memref<1x640x16xf32, #tpu.memory_space<hbm>> -> memref<640x16xf32, #tpu.memory_space<hbm>>
        %dma_start3A_33 = arith.constant 0 : i32
        %dma_start3A_34 = tpu.memref_slice %arg7[%add3A_28, %dma_start3A_33] : memref<20008x16xf32, #tpu.memory_space<vmem_shared>> -> memref<640x16xf32, #tpu.memory_space<vmem_shared>>
        tpu.enqueue_dma source(%dma_start3A_34 : memref<640x16xf32, #tpu.memory_space<vmem_shared>>) target(%dma_start3A_32 : memref<640x16xf32, #tpu.memory_space<hbm>>) target_semaphore(%run_scoped3A_30 : memref<!tpu.dma_semaphore, #tpu.memory_space<semaphore_mem>>)
        %dma_wait3A = arith.constant 0 : i32
        %dma_wait3A_35 = tpu.memref_slice %arg6[%run_scoped3A, %add3A_28, %dma_wait3A] : memref<2x20000x16xf32, #tpu.memory_space<hbm>> -> memref<1x640x16xf32, #tpu.memory_space<hbm>>
        %dma_wait3A_36 = tpu.memref_squeeze %dma_wait3A_35 : memref<1x640x16xf32, #tpu.memory_space<hbm>> -> memref<640x16xf32, #tpu.memory_space<hbm>>
        %dma_wait3A_37 = arith.constant 0 : i32
        %dma_wait3A_38 = tpu.memref_slice %arg7[%add3A_28, %dma_wait3A_37] : memref<20008x16xf32, #tpu.memory_space<vmem_shared>> -> memref<640x16xf32, #tpu.memory_space<vmem_shared>>
        tpu.wait_dma2 semaphore(%run_scoped3A_30 : memref<!tpu.dma_semaphore, #tpu.memory_space<semaphore_mem>>) src(%dma_wait3A_38 : memref<640x16xf32, #tpu.memory_space<vmem_shared>>) dst(%dma_wait3A_36 : memref<640x16xf32, #tpu.memory_space<hbm>>)
        tpu.yield
      }) : () -> ()
      %run_scoped3A_29 = arith.constant 1 : i32
      "tpu.region"() ({
        %run_scoped3A_30 = tpu.sem_alloc : memref<!tpu.dma_semaphore, #tpu.memory_space<semaphore_mem>>
        %dma_start3A = arith.constant 0 : i32
        %dma_start3A_31 = tpu.memref_slice %arg6[%run_scoped3A_29, %add3A_28, %dma_start3A] : memref<2x20000x16xf32, #tpu.memory_space<hbm>> -> memref<1x640x16xf32, #tpu.memory_space<hbm>>
        %dma_start3A_32 = tpu.memref_squeeze %dma_start3A_31 : memref<1x640x16xf32, #tpu.memory_space<hbm>> -> memref<640x16xf32, #tpu.memory_space<hbm>>
        %dma_start3A_33 = arith.constant 0 : i32
        %dma_start3A_34 = tpu.memref_slice %arg8[%add3A_28, %dma_start3A_33] : memref<20008x16xf32, #tpu.memory_space<vmem_shared>> -> memref<640x16xf32, #tpu.memory_space<vmem_shared>>
        tpu.enqueue_dma source(%dma_start3A_34 : memref<640x16xf32, #tpu.memory_space<vmem_shared>>) target(%dma_start3A_32 : memref<640x16xf32, #tpu.memory_space<hbm>>) target_semaphore(%run_scoped3A_30 : memref<!tpu.dma_semaphore, #tpu.memory_space<semaphore_mem>>)
        %dma_wait3A = arith.constant 0 : i32
        %dma_wait3A_35 = tpu.memref_slice %arg6[%run_scoped3A_29, %add3A_28, %dma_wait3A] : memref<2x20000x16xf32, #tpu.memory_space<hbm>> -> memref<1x640x16xf32, #tpu.memory_space<hbm>>
        %dma_wait3A_36 = tpu.memref_squeeze %dma_wait3A_35 : memref<1x640x16xf32, #tpu.memory_space<hbm>> -> memref<640x16xf32, #tpu.memory_space<hbm>>
        %dma_wait3A_37 = arith.constant 0 : i32
        %dma_wait3A_38 = tpu.memref_slice %arg8[%add3A_28, %dma_wait3A_37] : memref<20008x16xf32, #tpu.memory_space<vmem_shared>> -> memref<640x16xf32, #tpu.memory_space<vmem_shared>>
        tpu.wait_dma2 semaphore(%run_scoped3A_30 : memref<!tpu.dma_semaphore, #tpu.memory_space<semaphore_mem>>) src(%dma_wait3A_38 : memref<640x16xf32, #tpu.memory_space<vmem_shared>>) dst(%dma_wait3A_36 : memref<640x16xf32, #tpu.memory_space<hbm>>)
        tpu.yield
      }) : () -> ()
    } else {
    }
    return
  }
}

#map = affine_map<(d0, d1) -> (0)>
#map1 = affine_map<(d0, d1) -> (0, 0)>
module attributes {stable_mosaic.version = 14 : i64} {
  func.func @spmm(%arg0: i32, %arg1: i32, %arg2: memref<655360xi32, #tpu.memory_space<hbm>>, %arg3: memref<655360xi32, #tpu.memory_space<hbm>>, %arg4: memref<20000x64xf32, #tpu.memory_space<hbm>>, %arg5: memref<640x64xf32, #tpu.memory_space<hbm>>, %arg6: memref<20000x64xf32, #tpu.memory_space<hbm>>, %arg7: memref<10008x64xf32, #tpu.memory_space<vmem_shared>>, %arg8: memref<128xi32, #tpu.memory_space<vmem>>, %arg9: memref<128xi32, #tpu.memory_space<vmem>>, %arg10: memref<128x64xf32, #tpu.memory_space<vmem>>, %arg11: memref<!tpu.dma_semaphore, #tpu.memory_space<semaphore_mem>>) attributes {dimension_semantics = [#tpu.dimension_semantics<core_parallel>, #tpu.dimension_semantics<subcore_parallel>], iteration_bounds = array<i64: 2, 16>, scalar_prefetch = 0 : i64, scratch_operands = 5 : i64, tpu.core_type = #tpu.core_type<sc_vector_subcore>, window_params = [{transform_indices = #map}, {transform_indices = #map}, {transform_indices = #map1}, {transform_indices = #map1}, {transform_indices = #map1}]} {
    %mul3A = arith.constant 2560 : i32
    %mul3A_0 = arith.muli %arg0, %mul3A : i32
    %mul3A_1 = arith.constant 160 : i32
    %mul3A_2 = arith.muli %arg1, %mul3A_1 : i32
    %add3A = arith.addi %mul3A_0, %mul3A_2 : i32
    %lt3A = arith.constant 15 : i32
    %lt3A_3 = arith.cmpi slt, %arg1, %lt3A : i32
    %convert_element_type3A = arith.extui %lt3A_3 : i1 to i32
    %cond3A = arith.constant 0 : i32
    %cond3A_4 = arith.cmpi ne, %convert_element_type3A, %cond3A : i32
    scf.if %cond3A_4 {
      %mul3A_25 = arith.constant 624 : i32
      %mul3A_26 = arith.muli %arg1, %mul3A_25 : i32
      "tpu.region"() ({
        %run_scoped3A = tpu.sem_alloc : memref<!tpu.dma_semaphore, #tpu.memory_space<semaphore_mem>>
        %dma_start3A = arith.constant 0 : i32
        %dma_start3A_27 = tpu.memref_slice %arg7[%mul3A_26, %dma_start3A] : memref<10008x64xf32, #tpu.memory_space<vmem_shared>> -> memref<624x64xf32, #tpu.memory_space<vmem_shared>>
        %dma_start3A_28 = arith.constant 0 : i32
        %dma_start3A_29 = arith.constant 0 : i32
        %dma_start3A_30 = tpu.memref_slice %arg5[%dma_start3A_28, %dma_start3A_29] : memref<640x64xf32, #tpu.memory_space<hbm>> -> memref<624x64xf32, #tpu.memory_space<hbm>>
        tpu.enqueue_dma source(%dma_start3A_30 : memref<624x64xf32, #tpu.memory_space<hbm>>) target(%dma_start3A_27 : memref<624x64xf32, #tpu.memory_space<vmem_shared>>) target_semaphore(%run_scoped3A : memref<!tpu.dma_semaphore, #tpu.memory_space<semaphore_mem>>)
        %dma_wait3A = arith.constant 0 : i32
        %dma_wait3A_31 = tpu.memref_slice %arg7[%mul3A_26, %dma_wait3A] : memref<10008x64xf32, #tpu.memory_space<vmem_shared>> -> memref<624x64xf32, #tpu.memory_space<vmem_shared>>
        %dma_wait3A_32 = arith.constant 0 : i32
        %dma_wait3A_33 = arith.constant 0 : i32
        %dma_wait3A_34 = tpu.memref_slice %arg5[%dma_wait3A_32, %dma_wait3A_33] : memref<640x64xf32, #tpu.memory_space<hbm>> -> memref<624x64xf32, #tpu.memory_space<hbm>>
        tpu.wait_dma2 semaphore(%run_scoped3A : memref<!tpu.dma_semaphore, #tpu.memory_space<semaphore_mem>>) src(%dma_wait3A_34 : memref<624x64xf32, #tpu.memory_space<hbm>>) dst(%dma_wait3A_31 : memref<624x64xf32, #tpu.memory_space<vmem_shared>>)
        tpu.yield
      }) : () -> ()
    } else {
    }
    %eq3A = arith.constant 15 : i32
    %eq3A_5 = arith.cmpi eq, %arg1, %eq3A : i32
    %convert_element_type3A_6 = arith.extui %eq3A_5 : i1 to i32
    %cond3A_7 = arith.constant 0 : i32
    %cond3A_8 = arith.cmpi ne, %convert_element_type3A_6, %cond3A_7 : i32
    scf.if %cond3A_8 {
      "tpu.region"() ({
        %run_scoped3A = tpu.sem_alloc : memref<!tpu.dma_semaphore, #tpu.memory_space<semaphore_mem>>
        %dma_start3A = arith.constant 9360 : i32
        %dma_start3A_25 = arith.constant 0 : i32
        %dma_start3A_26 = tpu.memref_slice %arg7[%dma_start3A, %dma_start3A_25] : memref<10008x64xf32, #tpu.memory_space<vmem_shared>> -> memref<640x64xf32, #tpu.memory_space<vmem_shared>>
        tpu.enqueue_dma source(%arg5 : memref<640x64xf32, #tpu.memory_space<hbm>>) target(%dma_start3A_26 : memref<640x64xf32, #tpu.memory_space<vmem_shared>>) target_semaphore(%run_scoped3A : memref<!tpu.dma_semaphore, #tpu.memory_space<semaphore_mem>>)
        %dma_wait3A = arith.constant 9360 : i32
        %dma_wait3A_27 = arith.constant 0 : i32
        %dma_wait3A_28 = tpu.memref_slice %arg7[%dma_wait3A, %dma_wait3A_27] : memref<10008x64xf32, #tpu.memory_space<vmem_shared>> -> memref<640x64xf32, #tpu.memory_space<vmem_shared>>
        tpu.wait_dma2 semaphore(%run_scoped3A : memref<!tpu.dma_semaphore, #tpu.memory_space<semaphore_mem>>) src(%arg5 : memref<640x64xf32, #tpu.memory_space<hbm>>) dst(%dma_wait3A_28 : memref<640x64xf32, #tpu.memory_space<vmem_shared>>)
        tpu.yield
      }) : () -> ()
    } else {
    }
    %barrier3A = arith.constant 0 : index
    tpu.barrier barrier_id(%barrier3A)
    %scan3A = arith.constant 0 : i32
    %scan3A_9 = arith.constant 0 : i32
    %scan3A_10 = arith.constant 160 : i32
    %scan3A_11 = arith.addi %scan3A_9, %scan3A_10 : i32
    %scan3A_12 = arith.constant 1 : i32
    scf.for %scan3A_25 = %scan3A_9 to %scan3A_11 step %scan3A_12  : i32 {
      %add3A_26 = arith.addi %add3A, %scan3A_25 : i32
      %mul3A_27 = arith.constant 128 : i32
      %mul3A_28 = arith.muli %add3A_26, %mul3A_27 : i32
      "tpu.region"() ({
        %run_scoped3A = tpu.sem_alloc : memref<!tpu.dma_semaphore, #tpu.memory_space<semaphore_mem>>
        %dma_start3A_33 = tpu.memref_slice %arg2[%mul3A_28] : memref<655360xi32, #tpu.memory_space<hbm>> -> memref<128xi32, #tpu.memory_space<hbm>>
        %dma_start3A_34 = tpu.memref_slice %arg2[%mul3A_28] : memref<655360xi32, #tpu.memory_space<hbm>> -> memref<128xi32, #tpu.memory_space<hbm>>
        tpu.enqueue_dma source(%dma_start3A_34 : memref<128xi32, #tpu.memory_space<hbm>>) target(%arg8 : memref<128xi32, #tpu.memory_space<vmem>>) target_semaphore(%run_scoped3A : memref<!tpu.dma_semaphore, #tpu.memory_space<semaphore_mem>>)
        %dma_wait3A_35 = tpu.memref_slice %arg2[%mul3A_28] : memref<655360xi32, #tpu.memory_space<hbm>> -> memref<128xi32, #tpu.memory_space<hbm>>
        %dma_wait3A_36 = tpu.memref_slice %arg2[%mul3A_28] : memref<655360xi32, #tpu.memory_space<hbm>> -> memref<128xi32, #tpu.memory_space<hbm>>
        tpu.wait_dma2 semaphore(%run_scoped3A : memref<!tpu.dma_semaphore, #tpu.memory_space<semaphore_mem>>) src(%dma_wait3A_36 : memref<128xi32, #tpu.memory_space<hbm>>) dst(%arg8 : memref<128xi32, #tpu.memory_space<vmem>>)
        tpu.yield
      }) : () -> ()
      "tpu.region"() ({
        %run_scoped3A = tpu.sem_alloc : memref<!tpu.dma_semaphore, #tpu.memory_space<semaphore_mem>>
        %dma_start3A_33 = tpu.memref_slice %arg3[%mul3A_28] : memref<655360xi32, #tpu.memory_space<hbm>> -> memref<128xi32, #tpu.memory_space<hbm>>
        %dma_start3A_34 = tpu.memref_slice %arg3[%mul3A_28] : memref<655360xi32, #tpu.memory_space<hbm>> -> memref<128xi32, #tpu.memory_space<hbm>>
        tpu.enqueue_dma source(%dma_start3A_34 : memref<128xi32, #tpu.memory_space<hbm>>) target(%arg9 : memref<128xi32, #tpu.memory_space<vmem>>) target_semaphore(%run_scoped3A : memref<!tpu.dma_semaphore, #tpu.memory_space<semaphore_mem>>)
        %dma_wait3A_35 = tpu.memref_slice %arg3[%mul3A_28] : memref<655360xi32, #tpu.memory_space<hbm>> -> memref<128xi32, #tpu.memory_space<hbm>>
        %dma_wait3A_36 = tpu.memref_slice %arg3[%mul3A_28] : memref<655360xi32, #tpu.memory_space<hbm>> -> memref<128xi32, #tpu.memory_space<hbm>>
        tpu.wait_dma2 semaphore(%run_scoped3A : memref<!tpu.dma_semaphore, #tpu.memory_space<semaphore_mem>>) src(%dma_wait3A_36 : memref<128xi32, #tpu.memory_space<hbm>>) dst(%arg9 : memref<128xi32, #tpu.memory_space<vmem>>)
        tpu.yield
      }) : () -> ()
      %dma_start3A = arith.constant 0 : i32
      %dma_start3A_29 = arith.constant 0 : i32
      %dma_start3A_30 = tpu.memref_slice %arg4[%dma_start3A, %dma_start3A_29] : memref<20000x64xf32, #tpu.memory_space<hbm>> -> memref<20000x64xf32, #tpu.memory_space<hbm>>
      tpu.enqueue_indirect_dma source(%dma_start3A_30 : memref<20000x64xf32, #tpu.memory_space<hbm>>) target(%arg10 : memref<128x64xf32, #tpu.memory_space<vmem>>) offsets(%arg8 : memref<128xi32, #tpu.memory_space<vmem>>) semaphore(%arg11 : memref<!tpu.dma_semaphore, #tpu.memory_space<semaphore_mem>>)
      %dma_wait3A = arith.constant 0 : i32
      %dma_wait3A_31 = arith.constant 0 : i32
      %dma_wait3A_32 = tpu.memref_slice %arg4[%dma_wait3A, %dma_wait3A_31] : memref<20000x64xf32, #tpu.memory_space<hbm>> -> memref<20000x64xf32, #tpu.memory_space<hbm>>
      tpu.wait_indirect_dma semaphore(%arg11 : memref<!tpu.dma_semaphore, #tpu.memory_space<semaphore_mem>>) src(%dma_wait3A_32 : memref<20000x64xf32, #tpu.memory_space<hbm>>) dst(%arg10 : memref<128x64xf32, #tpu.memory_space<vmem>>)
      "tpu.region"() ({
        %run_scoped3A = tpu.sem_alloc : memref<!tpu.dma_semaphore, #tpu.memory_space<semaphore_mem>>
        %dma_start3A_33 = arith.constant 0 : i32
        %dma_start3A_34 = arith.constant 0 : i32
        %dma_start3A_35 = tpu.memref_slice %arg7[%dma_start3A_33, %dma_start3A_34] : memref<10008x64xf32, #tpu.memory_space<vmem_shared>> -> memref<10008x64xf32, #tpu.memory_space<vmem_shared>>
        tpu.enqueue_indirect_dma source(%arg10 : memref<128x64xf32, #tpu.memory_space<vmem>>) target(%dma_start3A_35 : memref<10008x64xf32, #tpu.memory_space<vmem_shared>>) offsets(%arg9 : memref<128xi32, #tpu.memory_space<vmem>>) semaphore(%run_scoped3A : memref<!tpu.dma_semaphore, #tpu.memory_space<semaphore_mem>>) {add = true}
        %dma_wait3A_36 = arith.constant 0 : i32
        %dma_wait3A_37 = arith.constant 0 : i32
        %dma_wait3A_38 = tpu.memref_slice %arg7[%dma_wait3A_36, %dma_wait3A_37] : memref<10008x64xf32, #tpu.memory_space<vmem_shared>> -> memref<10008x64xf32, #tpu.memory_space<vmem_shared>>
        tpu.wait_indirect_dma semaphore(%run_scoped3A : memref<!tpu.dma_semaphore, #tpu.memory_space<semaphore_mem>>) src(%arg10 : memref<128x64xf32, #tpu.memory_space<vmem>>) dst(%dma_wait3A_38 : memref<10008x64xf32, #tpu.memory_space<vmem_shared>>)
        tpu.yield
      }) : () -> ()
    }
    %scan3A_13 = arith.constant 160 : i32
    %barrier3A_14 = arith.constant 0 : index
    tpu.barrier barrier_id(%barrier3A_14)
    %lt3A_15 = arith.constant 15 : i32
    %lt3A_16 = arith.cmpi slt, %arg1, %lt3A_15 : i32
    %convert_element_type3A_17 = arith.extui %lt3A_16 : i1 to i32
    %cond3A_18 = arith.constant 0 : i32
    %cond3A_19 = arith.cmpi ne, %convert_element_type3A_17, %cond3A_18 : i32
    scf.if %cond3A_19 {
      %mul3A_25 = arith.constant 624 : i32
      %mul3A_26 = arith.muli %arg1, %mul3A_25 : i32
      %mul3A_27 = arith.constant 10000 : i32
      %mul3A_28 = arith.muli %arg0, %mul3A_27 : i32
      %add3A_29 = arith.addi %mul3A_28, %mul3A_26 : i32
      "tpu.region"() ({
        %run_scoped3A = tpu.sem_alloc : memref<!tpu.dma_semaphore, #tpu.memory_space<semaphore_mem>>
        %dma_start3A = arith.constant 0 : i32
        %dma_start3A_30 = tpu.memref_slice %arg6[%add3A_29, %dma_start3A] : memref<20000x64xf32, #tpu.memory_space<hbm>> -> memref<624x64xf32, #tpu.memory_space<hbm>>
        %dma_start3A_31 = arith.constant 0 : i32
        %dma_start3A_32 = tpu.memref_slice %arg7[%mul3A_26, %dma_start3A_31] : memref<10008x64xf32, #tpu.memory_space<vmem_shared>> -> memref<624x64xf32, #tpu.memory_space<vmem_shared>>
        tpu.enqueue_dma source(%dma_start3A_32 : memref<624x64xf32, #tpu.memory_space<vmem_shared>>) target(%dma_start3A_30 : memref<624x64xf32, #tpu.memory_space<hbm>>) target_semaphore(%run_scoped3A : memref<!tpu.dma_semaphore, #tpu.memory_space<semaphore_mem>>)
        %dma_wait3A = arith.constant 0 : i32
        %dma_wait3A_33 = tpu.memref_slice %arg6[%add3A_29, %dma_wait3A] : memref<20000x64xf32, #tpu.memory_space<hbm>> -> memref<624x64xf32, #tpu.memory_space<hbm>>
        %dma_wait3A_34 = arith.constant 0 : i32
        %dma_wait3A_35 = tpu.memref_slice %arg7[%mul3A_26, %dma_wait3A_34] : memref<10008x64xf32, #tpu.memory_space<vmem_shared>> -> memref<624x64xf32, #tpu.memory_space<vmem_shared>>
        tpu.wait_dma2 semaphore(%run_scoped3A : memref<!tpu.dma_semaphore, #tpu.memory_space<semaphore_mem>>) src(%dma_wait3A_35 : memref<624x64xf32, #tpu.memory_space<vmem_shared>>) dst(%dma_wait3A_33 : memref<624x64xf32, #tpu.memory_space<hbm>>)
        tpu.yield
      }) : () -> ()
    } else {
    }
    %eq3A_20 = arith.constant 15 : i32
    %eq3A_21 = arith.cmpi eq, %arg1, %eq3A_20 : i32
    %convert_element_type3A_22 = arith.extui %eq3A_21 : i1 to i32
    %cond3A_23 = arith.constant 0 : i32
    %cond3A_24 = arith.cmpi ne, %convert_element_type3A_22, %cond3A_23 : i32
    scf.if %cond3A_24 {
      %mul3A_25 = arith.constant 10000 : i32
      %mul3A_26 = arith.muli %arg0, %mul3A_25 : i32
      %add3A_27 = arith.constant 9360 : i32
      %add3A_28 = arith.addi %mul3A_26, %add3A_27 : i32
      "tpu.region"() ({
        %run_scoped3A = tpu.sem_alloc : memref<!tpu.dma_semaphore, #tpu.memory_space<semaphore_mem>>
        %dma_start3A = arith.constant 0 : i32
        %dma_start3A_29 = tpu.memref_slice %arg6[%add3A_28, %dma_start3A] : memref<20000x64xf32, #tpu.memory_space<hbm>> -> memref<640x64xf32, #tpu.memory_space<hbm>>
        %dma_start3A_30 = arith.constant 9360 : i32
        %dma_start3A_31 = arith.constant 0 : i32
        %dma_start3A_32 = tpu.memref_slice %arg7[%dma_start3A_30, %dma_start3A_31] : memref<10008x64xf32, #tpu.memory_space<vmem_shared>> -> memref<640x64xf32, #tpu.memory_space<vmem_shared>>
        tpu.enqueue_dma source(%dma_start3A_32 : memref<640x64xf32, #tpu.memory_space<vmem_shared>>) target(%dma_start3A_29 : memref<640x64xf32, #tpu.memory_space<hbm>>) target_semaphore(%run_scoped3A : memref<!tpu.dma_semaphore, #tpu.memory_space<semaphore_mem>>)
        %dma_wait3A = arith.constant 0 : i32
        %dma_wait3A_33 = tpu.memref_slice %arg6[%add3A_28, %dma_wait3A] : memref<20000x64xf32, #tpu.memory_space<hbm>> -> memref<640x64xf32, #tpu.memory_space<hbm>>
        %dma_wait3A_34 = arith.constant 9360 : i32
        %dma_wait3A_35 = arith.constant 0 : i32
        %dma_wait3A_36 = tpu.memref_slice %arg7[%dma_wait3A_34, %dma_wait3A_35] : memref<10008x64xf32, #tpu.memory_space<vmem_shared>> -> memref<640x64xf32, #tpu.memory_space<vmem_shared>>
        tpu.wait_dma2 semaphore(%run_scoped3A : memref<!tpu.dma_semaphore, #tpu.memory_space<semaphore_mem>>) src(%dma_wait3A_36 : memref<640x64xf32, #tpu.memory_space<vmem_shared>>) dst(%dma_wait3A_33 : memref<640x64xf32, #tpu.memory_space<hbm>>)
        tpu.yield
      }) : () -> ()
    } else {
    }
    return
  }
}

#map = affine_map<(d0, d1) -> (0)>
#map1 = affine_map<(d0, d1) -> (0, 0)>
module attributes {stable_mosaic.version = 14 : i64} {
  func.func @spmm(%arg0: i32, %arg1: i32, %arg2: memref<655360xi32, #tpu.memory_space<hbm>>, %arg3: memref<655360xi32, #tpu.memory_space<hbm>>, %arg4: memref<20000x128xf32, #tpu.memory_space<hbm>>, %arg5: memref<640x128xf32, #tpu.memory_space<hbm>>, %arg6: memref<20000x128xf32, #tpu.memory_space<hbm>>, %arg7: memref<10008x128xf32, #tpu.memory_space<vmem_shared>>, %arg8: memref<128xi32, #tpu.memory_space<vmem>>, %arg9: memref<128xi32, #tpu.memory_space<vmem>>, %arg10: memref<128x128xf32, #tpu.memory_space<vmem>>, %arg11: memref<!tpu.dma_semaphore, #tpu.memory_space<semaphore_mem>>) attributes {dimension_semantics = [#tpu.dimension_semantics<core_parallel>, #tpu.dimension_semantics<subcore_parallel>], iteration_bounds = array<i64: 2, 16>, scalar_prefetch = 0 : i64, scratch_operands = 5 : i64, tpu.core_type = #tpu.core_type<sc_vector_subcore>, window_params = [{transform_indices = #map}, {transform_indices = #map}, {transform_indices = #map1}, {transform_indices = #map1}, {transform_indices = #map1}]} {
    %mul3A = arith.constant 2560 : i32
    %mul3A_0 = arith.muli %arg0, %mul3A : i32
    %mul3A_1 = arith.constant 160 : i32
    %mul3A_2 = arith.muli %arg1, %mul3A_1 : i32
    %add3A = arith.addi %mul3A_0, %mul3A_2 : i32
    %lt3A = arith.constant 15 : i32
    %lt3A_3 = arith.cmpi slt, %arg1, %lt3A : i32
    %convert_element_type3A = arith.extui %lt3A_3 : i1 to i32
    %cond3A = arith.constant 0 : i32
    %cond3A_4 = arith.cmpi ne, %convert_element_type3A, %cond3A : i32
    scf.if %cond3A_4 {
      %mul3A_25 = arith.constant 624 : i32
      %mul3A_26 = arith.muli %arg1, %mul3A_25 : i32
      "tpu.region"() ({
        %run_scoped3A = tpu.sem_alloc : memref<!tpu.dma_semaphore, #tpu.memory_space<semaphore_mem>>
        %dma_start3A = arith.constant 0 : i32
        %dma_start3A_27 = tpu.memref_slice %arg7[%mul3A_26, %dma_start3A] : memref<10008x128xf32, #tpu.memory_space<vmem_shared>> -> memref<624x128xf32, #tpu.memory_space<vmem_shared>>
        %dma_start3A_28 = arith.constant 0 : i32
        %dma_start3A_29 = arith.constant 0 : i32
        %dma_start3A_30 = tpu.memref_slice %arg5[%dma_start3A_28, %dma_start3A_29] : memref<640x128xf32, #tpu.memory_space<hbm>> -> memref<624x128xf32, #tpu.memory_space<hbm>>
        tpu.enqueue_dma source(%dma_start3A_30 : memref<624x128xf32, #tpu.memory_space<hbm>>) target(%dma_start3A_27 : memref<624x128xf32, #tpu.memory_space<vmem_shared>>) target_semaphore(%run_scoped3A : memref<!tpu.dma_semaphore, #tpu.memory_space<semaphore_mem>>)
        %dma_wait3A = arith.constant 0 : i32
        %dma_wait3A_31 = tpu.memref_slice %arg7[%mul3A_26, %dma_wait3A] : memref<10008x128xf32, #tpu.memory_space<vmem_shared>> -> memref<624x128xf32, #tpu.memory_space<vmem_shared>>
        %dma_wait3A_32 = arith.constant 0 : i32
        %dma_wait3A_33 = arith.constant 0 : i32
        %dma_wait3A_34 = tpu.memref_slice %arg5[%dma_wait3A_32, %dma_wait3A_33] : memref<640x128xf32, #tpu.memory_space<hbm>> -> memref<624x128xf32, #tpu.memory_space<hbm>>
        tpu.wait_dma2 semaphore(%run_scoped3A : memref<!tpu.dma_semaphore, #tpu.memory_space<semaphore_mem>>) src(%dma_wait3A_34 : memref<624x128xf32, #tpu.memory_space<hbm>>) dst(%dma_wait3A_31 : memref<624x128xf32, #tpu.memory_space<vmem_shared>>)
        tpu.yield
      }) : () -> ()
    } else {
    }
    %eq3A = arith.constant 15 : i32
    %eq3A_5 = arith.cmpi eq, %arg1, %eq3A : i32
    %convert_element_type3A_6 = arith.extui %eq3A_5 : i1 to i32
    %cond3A_7 = arith.constant 0 : i32
    %cond3A_8 = arith.cmpi ne, %convert_element_type3A_6, %cond3A_7 : i32
    scf.if %cond3A_8 {
      "tpu.region"() ({
        %run_scoped3A = tpu.sem_alloc : memref<!tpu.dma_semaphore, #tpu.memory_space<semaphore_mem>>
        %dma_start3A = arith.constant 9360 : i32
        %dma_start3A_25 = arith.constant 0 : i32
        %dma_start3A_26 = tpu.memref_slice %arg7[%dma_start3A, %dma_start3A_25] : memref<10008x128xf32, #tpu.memory_space<vmem_shared>> -> memref<640x128xf32, #tpu.memory_space<vmem_shared>>
        tpu.enqueue_dma source(%arg5 : memref<640x128xf32, #tpu.memory_space<hbm>>) target(%dma_start3A_26 : memref<640x128xf32, #tpu.memory_space<vmem_shared>>) target_semaphore(%run_scoped3A : memref<!tpu.dma_semaphore, #tpu.memory_space<semaphore_mem>>)
        %dma_wait3A = arith.constant 9360 : i32
        %dma_wait3A_27 = arith.constant 0 : i32
        %dma_wait3A_28 = tpu.memref_slice %arg7[%dma_wait3A, %dma_wait3A_27] : memref<10008x128xf32, #tpu.memory_space<vmem_shared>> -> memref<640x128xf32, #tpu.memory_space<vmem_shared>>
        tpu.wait_dma2 semaphore(%run_scoped3A : memref<!tpu.dma_semaphore, #tpu.memory_space<semaphore_mem>>) src(%arg5 : memref<640x128xf32, #tpu.memory_space<hbm>>) dst(%dma_wait3A_28 : memref<640x128xf32, #tpu.memory_space<vmem_shared>>)
        tpu.yield
      }) : () -> ()
    } else {
    }
    %barrier3A = arith.constant 0 : index
    tpu.barrier barrier_id(%barrier3A)
    %scan3A = arith.constant 0 : i32
    %scan3A_9 = arith.constant 0 : i32
    %scan3A_10 = arith.constant 160 : i32
    %scan3A_11 = arith.addi %scan3A_9, %scan3A_10 : i32
    %scan3A_12 = arith.constant 1 : i32
    scf.for %scan3A_25 = %scan3A_9 to %scan3A_11 step %scan3A_12  : i32 {
      %add3A_26 = arith.addi %add3A, %scan3A_25 : i32
      %mul3A_27 = arith.constant 128 : i32
      %mul3A_28 = arith.muli %add3A_26, %mul3A_27 : i32
      "tpu.region"() ({
        %run_scoped3A = tpu.sem_alloc : memref<!tpu.dma_semaphore, #tpu.memory_space<semaphore_mem>>
        %dma_start3A_33 = tpu.memref_slice %arg2[%mul3A_28] : memref<655360xi32, #tpu.memory_space<hbm>> -> memref<128xi32, #tpu.memory_space<hbm>>
        %dma_start3A_34 = tpu.memref_slice %arg2[%mul3A_28] : memref<655360xi32, #tpu.memory_space<hbm>> -> memref<128xi32, #tpu.memory_space<hbm>>
        tpu.enqueue_dma source(%dma_start3A_34 : memref<128xi32, #tpu.memory_space<hbm>>) target(%arg8 : memref<128xi32, #tpu.memory_space<vmem>>) target_semaphore(%run_scoped3A : memref<!tpu.dma_semaphore, #tpu.memory_space<semaphore_mem>>)
        %dma_wait3A_35 = tpu.memref_slice %arg2[%mul3A_28] : memref<655360xi32, #tpu.memory_space<hbm>> -> memref<128xi32, #tpu.memory_space<hbm>>
        %dma_wait3A_36 = tpu.memref_slice %arg2[%mul3A_28] : memref<655360xi32, #tpu.memory_space<hbm>> -> memref<128xi32, #tpu.memory_space<hbm>>
        tpu.wait_dma2 semaphore(%run_scoped3A : memref<!tpu.dma_semaphore, #tpu.memory_space<semaphore_mem>>) src(%dma_wait3A_36 : memref<128xi32, #tpu.memory_space<hbm>>) dst(%arg8 : memref<128xi32, #tpu.memory_space<vmem>>)
        tpu.yield
      }) : () -> ()
      "tpu.region"() ({
        %run_scoped3A = tpu.sem_alloc : memref<!tpu.dma_semaphore, #tpu.memory_space<semaphore_mem>>
        %dma_start3A_33 = tpu.memref_slice %arg3[%mul3A_28] : memref<655360xi32, #tpu.memory_space<hbm>> -> memref<128xi32, #tpu.memory_space<hbm>>
        %dma_start3A_34 = tpu.memref_slice %arg3[%mul3A_28] : memref<655360xi32, #tpu.memory_space<hbm>> -> memref<128xi32, #tpu.memory_space<hbm>>
        tpu.enqueue_dma source(%dma_start3A_34 : memref<128xi32, #tpu.memory_space<hbm>>) target(%arg9 : memref<128xi32, #tpu.memory_space<vmem>>) target_semaphore(%run_scoped3A : memref<!tpu.dma_semaphore, #tpu.memory_space<semaphore_mem>>)
        %dma_wait3A_35 = tpu.memref_slice %arg3[%mul3A_28] : memref<655360xi32, #tpu.memory_space<hbm>> -> memref<128xi32, #tpu.memory_space<hbm>>
        %dma_wait3A_36 = tpu.memref_slice %arg3[%mul3A_28] : memref<655360xi32, #tpu.memory_space<hbm>> -> memref<128xi32, #tpu.memory_space<hbm>>
        tpu.wait_dma2 semaphore(%run_scoped3A : memref<!tpu.dma_semaphore, #tpu.memory_space<semaphore_mem>>) src(%dma_wait3A_36 : memref<128xi32, #tpu.memory_space<hbm>>) dst(%arg9 : memref<128xi32, #tpu.memory_space<vmem>>)
        tpu.yield
      }) : () -> ()
      %dma_start3A = arith.constant 0 : i32
      %dma_start3A_29 = arith.constant 0 : i32
      %dma_start3A_30 = tpu.memref_slice %arg4[%dma_start3A, %dma_start3A_29] : memref<20000x128xf32, #tpu.memory_space<hbm>> -> memref<20000x128xf32, #tpu.memory_space<hbm>>
      tpu.enqueue_indirect_dma source(%dma_start3A_30 : memref<20000x128xf32, #tpu.memory_space<hbm>>) target(%arg10 : memref<128x128xf32, #tpu.memory_space<vmem>>) offsets(%arg8 : memref<128xi32, #tpu.memory_space<vmem>>) semaphore(%arg11 : memref<!tpu.dma_semaphore, #tpu.memory_space<semaphore_mem>>)
      %dma_wait3A = arith.constant 0 : i32
      %dma_wait3A_31 = arith.constant 0 : i32
      %dma_wait3A_32 = tpu.memref_slice %arg4[%dma_wait3A, %dma_wait3A_31] : memref<20000x128xf32, #tpu.memory_space<hbm>> -> memref<20000x128xf32, #tpu.memory_space<hbm>>
      tpu.wait_indirect_dma semaphore(%arg11 : memref<!tpu.dma_semaphore, #tpu.memory_space<semaphore_mem>>) src(%dma_wait3A_32 : memref<20000x128xf32, #tpu.memory_space<hbm>>) dst(%arg10 : memref<128x128xf32, #tpu.memory_space<vmem>>)
      "tpu.region"() ({
        %run_scoped3A = tpu.sem_alloc : memref<!tpu.dma_semaphore, #tpu.memory_space<semaphore_mem>>
        %dma_start3A_33 = arith.constant 0 : i32
        %dma_start3A_34 = arith.constant 0 : i32
        %dma_start3A_35 = tpu.memref_slice %arg7[%dma_start3A_33, %dma_start3A_34] : memref<10008x128xf32, #tpu.memory_space<vmem_shared>> -> memref<10008x128xf32, #tpu.memory_space<vmem_shared>>
        tpu.enqueue_indirect_dma source(%arg10 : memref<128x128xf32, #tpu.memory_space<vmem>>) target(%dma_start3A_35 : memref<10008x128xf32, #tpu.memory_space<vmem_shared>>) offsets(%arg9 : memref<128xi32, #tpu.memory_space<vmem>>) semaphore(%run_scoped3A : memref<!tpu.dma_semaphore, #tpu.memory_space<semaphore_mem>>) {add = true}
        %dma_wait3A_36 = arith.constant 0 : i32
        %dma_wait3A_37 = arith.constant 0 : i32
        %dma_wait3A_38 = tpu.memref_slice %arg7[%dma_wait3A_36, %dma_wait3A_37] : memref<10008x128xf32, #tpu.memory_space<vmem_shared>> -> memref<10008x128xf32, #tpu.memory_space<vmem_shared>>
        tpu.wait_indirect_dma semaphore(%run_scoped3A : memref<!tpu.dma_semaphore, #tpu.memory_space<semaphore_mem>>) src(%arg10 : memref<128x128xf32, #tpu.memory_space<vmem>>) dst(%dma_wait3A_38 : memref<10008x128xf32, #tpu.memory_space<vmem_shared>>)
        tpu.yield
      }) : () -> ()
    }
    %scan3A_13 = arith.constant 160 : i32
    %barrier3A_14 = arith.constant 0 : index
    tpu.barrier barrier_id(%barrier3A_14)
    %lt3A_15 = arith.constant 15 : i32
    %lt3A_16 = arith.cmpi slt, %arg1, %lt3A_15 : i32
    %convert_element_type3A_17 = arith.extui %lt3A_16 : i1 to i32
    %cond3A_18 = arith.constant 0 : i32
    %cond3A_19 = arith.cmpi ne, %convert_element_type3A_17, %cond3A_18 : i32
    scf.if %cond3A_19 {
      %mul3A_25 = arith.constant 624 : i32
      %mul3A_26 = arith.muli %arg1, %mul3A_25 : i32
      %mul3A_27 = arith.constant 10000 : i32
      %mul3A_28 = arith.muli %arg0, %mul3A_27 : i32
      %add3A_29 = arith.addi %mul3A_28, %mul3A_26 : i32
      "tpu.region"() ({
        %run_scoped3A = tpu.sem_alloc : memref<!tpu.dma_semaphore, #tpu.memory_space<semaphore_mem>>
        %dma_start3A = arith.constant 0 : i32
        %dma_start3A_30 = tpu.memref_slice %arg6[%add3A_29, %dma_start3A] : memref<20000x128xf32, #tpu.memory_space<hbm>> -> memref<624x128xf32, #tpu.memory_space<hbm>>
        %dma_start3A_31 = arith.constant 0 : i32
        %dma_start3A_32 = tpu.memref_slice %arg7[%mul3A_26, %dma_start3A_31] : memref<10008x128xf32, #tpu.memory_space<vmem_shared>> -> memref<624x128xf32, #tpu.memory_space<vmem_shared>>
        tpu.enqueue_dma source(%dma_start3A_32 : memref<624x128xf32, #tpu.memory_space<vmem_shared>>) target(%dma_start3A_30 : memref<624x128xf32, #tpu.memory_space<hbm>>) target_semaphore(%run_scoped3A : memref<!tpu.dma_semaphore, #tpu.memory_space<semaphore_mem>>)
        %dma_wait3A = arith.constant 0 : i32
        %dma_wait3A_33 = tpu.memref_slice %arg6[%add3A_29, %dma_wait3A] : memref<20000x128xf32, #tpu.memory_space<hbm>> -> memref<624x128xf32, #tpu.memory_space<hbm>>
        %dma_wait3A_34 = arith.constant 0 : i32
        %dma_wait3A_35 = tpu.memref_slice %arg7[%mul3A_26, %dma_wait3A_34] : memref<10008x128xf32, #tpu.memory_space<vmem_shared>> -> memref<624x128xf32, #tpu.memory_space<vmem_shared>>
        tpu.wait_dma2 semaphore(%run_scoped3A : memref<!tpu.dma_semaphore, #tpu.memory_space<semaphore_mem>>) src(%dma_wait3A_35 : memref<624x128xf32, #tpu.memory_space<vmem_shared>>) dst(%dma_wait3A_33 : memref<624x128xf32, #tpu.memory_space<hbm>>)
        tpu.yield
      }) : () -> ()
    } else {
    }
    %eq3A_20 = arith.constant 15 : i32
    %eq3A_21 = arith.cmpi eq, %arg1, %eq3A_20 : i32
    %convert_element_type3A_22 = arith.extui %eq3A_21 : i1 to i32
    %cond3A_23 = arith.constant 0 : i32
    %cond3A_24 = arith.cmpi ne, %convert_element_type3A_22, %cond3A_23 : i32
    scf.if %cond3A_24 {
      %mul3A_25 = arith.constant 10000 : i32
      %mul3A_26 = arith.muli %arg0, %mul3A_25 : i32
      %add3A_27 = arith.constant 9360 : i32
      %add3A_28 = arith.addi %mul3A_26, %add3A_27 : i32
      "tpu.region"() ({
        %run_scoped3A = tpu.sem_alloc : memref<!tpu.dma_semaphore, #tpu.memory_space<semaphore_mem>>
        %dma_start3A = arith.constant 0 : i32
        %dma_start3A_29 = tpu.memref_slice %arg6[%add3A_28, %dma_start3A] : memref<20000x128xf32, #tpu.memory_space<hbm>> -> memref<640x128xf32, #tpu.memory_space<hbm>>
        %dma_start3A_30 = arith.constant 9360 : i32
        %dma_start3A_31 = arith.constant 0 : i32
        %dma_start3A_32 = tpu.memref_slice %arg7[%dma_start3A_30, %dma_start3A_31] : memref<10008x128xf32, #tpu.memory_space<vmem_shared>> -> memref<640x128xf32, #tpu.memory_space<vmem_shared>>
        tpu.enqueue_dma source(%dma_start3A_32 : memref<640x128xf32, #tpu.memory_space<vmem_shared>>) target(%dma_start3A_29 : memref<640x128xf32, #tpu.memory_space<hbm>>) target_semaphore(%run_scoped3A : memref<!tpu.dma_semaphore, #tpu.memory_space<semaphore_mem>>)
        %dma_wait3A = arith.constant 0 : i32
        %dma_wait3A_33 = tpu.memref_slice %arg6[%add3A_28, %dma_wait3A] : memref<20000x128xf32, #tpu.memory_space<hbm>> -> memref<640x128xf32, #tpu.memory_space<hbm>>
        %dma_wait3A_34 = arith.constant 9360 : i32
        %dma_wait3A_35 = arith.constant 0 : i32
        %dma_wait3A_36 = tpu.memref_slice %arg7[%dma_wait3A_34, %dma_wait3A_35] : memref<10008x128xf32, #tpu.memory_space<vmem_shared>> -> memref<640x128xf32, #tpu.memory_space<vmem_shared>>
        tpu.wait_dma2 semaphore(%run_scoped3A : memref<!tpu.dma_semaphore, #tpu.memory_space<semaphore_mem>>) src(%dma_wait3A_36 : memref<640x128xf32, #tpu.memory_space<vmem_shared>>) dst(%dma_wait3A_33 : memref<640x128xf32, #tpu.memory_space<hbm>>)
        tpu.yield
      }) : () -> ()
    } else {
    }
    return
  }
}

module attributes {stable_mosaic.version = 14 : i64} {
  func.func @_mm1_body(%arg0: i32, %arg1: i32, %arg2: memref<1000x128xf32, #tpu.memory_space<vmem>>, %arg3: memref<1x128x128xf32, #tpu.memory_space<vmem>>, %arg4: memref<1x1000x16xf32, #tpu.memory_space<vmem>>, %arg5: memref<1000x128xf32, #tpu.memory_space<vmem>>) attributes {dimension_semantics = [#tpu.dimension_semantics<arbitrary>, #tpu.dimension_semantics<arbitrary>], iteration_bounds = array<i64: 2, 10>, scalar_prefetch = 0 : i64, scratch_operands = 0 : i64, tpu.core_type = #tpu.core_type<tc>, window_params = [{transform_indices = @transform_0, window_bounds = array<i64: 1000, 128>}, {transform_indices = @transform_1, window_bounds = array<i64: 1, 128, 128>}, {transform_indices = @transform_2, window_bounds = array<i64: 1, 1000, 16>}, {transform_indices = @transform_3, window_bounds = array<i64: 1000, 128>}]} {
    %get3A = arith.constant 0 : index
    %get3A_0 = arith.constant 0 : index
    %get3A_1 = arith.constant 0 : index
    %get3A_2 = vector.load %arg4[%get3A, %get3A_0, %get3A_1] : memref<1x1000x16xf32, #tpu.memory_space<vmem>>, vector<1x1000x16xf32>
    %slice3A = vector.extract_strided_slice %get3A_2 {offsets = [0, 0, 0], sizes = [1, 1000, 1], strides = [1, 1, 1]} : vector<1x1000x16xf32> to vector<1x1000x1xf32>
    %squeeze3A = vector.shape_cast %slice3A : vector<1x1000x1xf32> to vector<1000x1xf32>
    %max3A = arith.constant 1.000000e+00 : f32
    %max3A_3 = vector.broadcast %max3A : f32 to vector<1000x1xf32>
    %max3A_4 = arith.maximumf %squeeze3A, %max3A_3 : vector<1000x1xf32>
    %rsqrt3A = math.rsqrt %max3A_4 : vector<1000x1xf32>
    %get3A_5 = arith.constant 0 : index
    %get3A_6 = arith.constant 0 : index
    %get3A_7 = vector.load %arg2[%get3A_5, %get3A_6] : memref<1000x128xf32, #tpu.memory_space<vmem>>, vector<1000x128xf32>
    %get3A_8 = arith.constant 0 : index
    %get3A_9 = arith.constant 0 : index
    %get3A_10 = arith.constant 0 : index
    %get3A_11 = vector.load %arg3[%get3A_8, %get3A_9, %get3A_10] : memref<1x128x128xf32, #tpu.memory_space<vmem>>, vector<1x128x128xf32>
    %get3A_12 = vector.shape_cast %get3A_11 : vector<1x128x128xf32> to vector<128x128xf32>
    %dot_general3A = arith.constant dense<0.000000e+00> : vector<1000x128xf32>
    %dot_general3A_13 = tpu.matmul %get3A_7, %get3A_12, %dot_general3A {dimension_numbers = #tpu.dot_dimension_numbers<[1], [0], [0], [1], [0, 0, 1, 1], [], []>, transpose_lhs_hint = false} : vector<1000x128xf32>, vector<128x128xf32>, vector<1000x128xf32> -> vector<1000x128xf32>
    %mul3A = vector.broadcast %rsqrt3A : vector<1000x1xf32> to vector<1000x128xf32>
    %mul3A_14 = arith.mulf %dot_general3A_13, %mul3A : vector<1000x128xf32>
    %swap3A = arith.constant 0 : index
    %swap3A_15 = arith.constant 0 : index
    %swap3A_16 = vector.load %arg5[%swap3A, %swap3A_15] : memref<1000x128xf32, #tpu.memory_space<vmem>>, vector<1000x128xf32>
    tpu.vector_store %arg5[%swap3A, %swap3A_15], %mul3A_14 {strides = array<i32>} : memref<1000x128xf32, #tpu.memory_space<vmem>>, vector<1000x128xf32>,
    return
  }
  func.func @transform_0(%arg0: i32, %arg1: i32) -> (i32, i32) {
    %c0_i32 = arith.constant 0 : i32
    %c0_i32_0 = arith.constant 0 : i32
    return %arg1, %c0_i32 : i32, i32
  }
  func.func @transform_1(%arg0: i32, %arg1: i32) -> (i32, i32, i32) {
    %c0_i32 = arith.constant 0 : i32
    %c0_i32_0 = arith.constant 0 : i32
    %c0_i32_1 = arith.constant 0 : i32
    return %arg0, %c0_i32, %c0_i32_0 : i32, i32, i32
  }
  func.func @transform_2(%arg0: i32, %arg1: i32) -> (i32, i32, i32) {
    %mul3A = arith.constant 10 : i32
    %mul3A_0 = arith.muli %arg0, %mul3A : i32
    %add3A = arith.addi %mul3A_0, %arg1 : i32
    %c0_i32 = arith.constant 0 : i32
    %c0_i32_1 = arith.constant 0 : i32
    %c0_i32_2 = arith.constant 0 : i32
    return %c0_i32, %add3A, %c0_i32_1 : i32, i32, i32
  }
  func.func @transform_3(%arg0: i32, %arg1: i32) -> (i32, i32) {
    %mul3A = arith.constant 10 : i32
    %mul3A_0 = arith.muli %arg0, %mul3A : i32
    %add3A = arith.addi %mul3A_0, %arg1 : i32
    %c0_i32 = arith.constant 0 : i32
    %c0_i32_1 = arith.constant 0 : i32
    return %add3A, %c0_i32 : i32, i32
  }
}

module attributes {stable_mosaic.version = 14 : i64} {
  func.func @_mid_body(%arg0: i32, %arg1: i32, %arg2: memref<1000x128xf32, #tpu.memory_space<vmem>>, %arg3: memref<1000x128xf32, #tpu.memory_space<vmem>>, %arg4: memref<1x1000x16xf32, #tpu.memory_space<vmem>>, %arg5: memref<1x1000x16xf32, #tpu.memory_space<vmem>>, %arg6: memref<2x128xf32, #tpu.memory_space<vmem>>, %arg7: memref<1x128x64xf32, #tpu.memory_space<vmem>>, %arg8: memref<1x1000x16xf32, #tpu.memory_space<vmem>>, %arg9: memref<1000x64xf32, #tpu.memory_space<vmem>>) attributes {dimension_semantics = [#tpu.dimension_semantics<arbitrary>, #tpu.dimension_semantics<arbitrary>], iteration_bounds = array<i64: 2, 10>, scalar_prefetch = 0 : i64, scratch_operands = 0 : i64, tpu.core_type = #tpu.core_type<tc>, window_params = [{transform_indices = @transform_0, window_bounds = array<i64: 1000, 128>}, {transform_indices = @transform_1, window_bounds = array<i64: 1000, 128>}, {transform_indices = @transform_2, window_bounds = array<i64: 1, 1000, 16>}, {transform_indices = @transform_3, window_bounds = array<i64: 1, 1000, 16>}, {pipeline_mode = #tpu.pipeline_mode<synchronous>, transform_indices = @transform_4, window_bounds = array<i64: 2, 128>}, {transform_indices = @transform_5, window_bounds = array<i64: 1, 128, 64>}, {transform_indices = @transform_6, window_bounds = array<i64: 1, 1000, 16>}, {transform_indices = @transform_7, window_bounds = array<i64: 1000, 64>}]} {
    %get3A = arith.constant 0 : index
    %get3A_0 = arith.constant 0 : index
    %get3A_1 = vector.load %arg2[%get3A, %get3A_0] : memref<1000x128xf32, #tpu.memory_space<vmem>>, vector<1000x128xf32>
    %get3A_2 = arith.constant 0 : index
    %get3A_3 = arith.constant 0 : index
    %get3A_4 = arith.constant 0 : index
    %get3A_5 = vector.load %arg4[%get3A_2, %get3A_3, %get3A_4] : memref<1x1000x16xf32, #tpu.memory_space<vmem>>, vector<1x1000x16xf32>
    %slice3A = vector.extract_strided_slice %get3A_5 {offsets = [0, 0, 0], sizes = [1, 1000, 1], strides = [1, 1, 1]} : vector<1x1000x16xf32> to vector<1x1000x1xf32>
    %squeeze3A = vector.shape_cast %slice3A : vector<1x1000x1xf32> to vector<1000x1xf32>
    %max3A = arith.constant 1.000000e+00 : f32
    %max3A_6 = vector.broadcast %max3A : f32 to vector<1000x1xf32>
    %max3A_7 = arith.maximumf %squeeze3A, %max3A_6 : vector<1000x1xf32>
    %rsqrt3A = math.rsqrt %max3A_7 : vector<1000x1xf32>
    %mul3A = vector.broadcast %rsqrt3A : vector<1000x1xf32> to vector<1000x128xf32>
    %mul3A_8 = arith.mulf %get3A_1, %mul3A : vector<1000x128xf32>
    %get3A_9 = arith.constant 0 : index
    %get3A_10 = arith.constant 0 : index
    %get3A_11 = vector.load %arg6[%get3A_9, %get3A_10] : memref<2x128xf32, #tpu.memory_space<vmem>>, vector<1x128xf32>
    %get3A_12 = vector.shape_cast %get3A_11 : vector<1x128xf32> to vector<128xf32>
    %broadcast_in_dim3A = vector.shape_cast %get3A_12 : vector<128xf32> to vector<1x128xf32>
    %add3A = vector.broadcast %broadcast_in_dim3A : vector<1x128xf32> to vector<1000x128xf32>
    %add3A_13 = arith.addf %mul3A_8, %add3A : vector<1000x128xf32>
    %max3A_14 = arith.constant 0.000000e+00 : f32
    %max3A_15 = vector.broadcast %max3A_14 : f32 to vector<1000x128xf32>
    %max3A_16 = arith.maximumf %add3A_13, %max3A_15 : vector<1000x128xf32>
    %get3A_17 = arith.constant 0 : index
    %get3A_18 = arith.constant 0 : index
    %get3A_19 = vector.load %arg3[%get3A_17, %get3A_18] : memref<1000x128xf32, #tpu.memory_space<vmem>>, vector<1000x128xf32>
    %get3A_20 = arith.constant 0 : index
    %get3A_21 = arith.constant 0 : index
    %get3A_22 = arith.constant 0 : index
    %get3A_23 = vector.load %arg5[%get3A_20, %get3A_21, %get3A_22] : memref<1x1000x16xf32, #tpu.memory_space<vmem>>, vector<1x1000x16xf32>
    %slice3A_24 = vector.extract_strided_slice %get3A_23 {offsets = [0, 0, 0], sizes = [1, 1000, 1], strides = [1, 1, 1]} : vector<1x1000x16xf32> to vector<1x1000x1xf32>
    %squeeze3A_25 = vector.shape_cast %slice3A_24 : vector<1x1000x1xf32> to vector<1000x1xf32>
    %max3A_26 = arith.constant 1.000000e+00 : f32
    %max3A_27 = vector.broadcast %max3A_26 : f32 to vector<1000x1xf32>
    %max3A_28 = arith.maximumf %squeeze3A_25, %max3A_27 : vector<1000x1xf32>
    %rsqrt3A_29 = math.rsqrt %max3A_28 : vector<1000x1xf32>
    %mul3A_30 = vector.broadcast %rsqrt3A_29 : vector<1000x1xf32> to vector<1000x128xf32>
    %mul3A_31 = arith.mulf %get3A_19, %mul3A_30 : vector<1000x128xf32>
    %get3A_32 = arith.constant 1 : index
    %get3A_33 = arith.constant 0 : index
    %get3A_34 = vector.load %arg6[%get3A_32, %get3A_33] : memref<2x128xf32, #tpu.memory_space<vmem>>, vector<1x128xf32>
    %get3A_35 = vector.shape_cast %get3A_34 : vector<1x128xf32> to vector<128xf32>
    %broadcast_in_dim3A_36 = vector.shape_cast %get3A_35 : vector<128xf32> to vector<1x128xf32>
    %add3A_37 = vector.broadcast %broadcast_in_dim3A_36 : vector<1x128xf32> to vector<1000x128xf32>
    %add3A_38 = arith.addf %mul3A_31, %add3A_37 : vector<1000x128xf32>
    %max3A_39 = arith.constant 0.000000e+00 : f32
    %max3A_40 = vector.broadcast %max3A_39 : f32 to vector<1000x128xf32>
    %max3A_41 = arith.maximumf %add3A_38, %max3A_40 : vector<1000x128xf32>
    %add3A_42 = arith.addf %max3A_16, %max3A_41 : vector<1000x128xf32>
    %mul3A_43 = arith.constant 5.000000e-01 : f32
    %mul3A_44 = vector.broadcast %mul3A_43 : f32 to vector<1000x128xf32>
    %mul3A_45 = arith.mulf %add3A_42, %mul3A_44 : vector<1000x128xf32>
    %get3A_46 = arith.constant 0 : index
    %get3A_47 = arith.constant 0 : index
    %get3A_48 = arith.constant 0 : index
    %get3A_49 = vector.load %arg7[%get3A_46, %get3A_47, %get3A_48] : memref<1x128x64xf32, #tpu.memory_space<vmem>>, vector<1x128x64xf32>
    %get3A_50 = vector.shape_cast %get3A_49 : vector<1x128x64xf32> to vector<128x64xf32>
    %dot_general3A = arith.constant dense<0.000000e+00> : vector<1000x64xf32>
    %dot_general3A_51 = tpu.matmul %mul3A_45, %get3A_50, %dot_general3A {dimension_numbers = #tpu.dot_dimension_numbers<[1], [0], [0], [1], [0, 0, 1, 1], [], []>, transpose_lhs_hint = false} : vector<1000x128xf32>, vector<128x64xf32>, vector<1000x64xf32> -> vector<1000x64xf32>
    %get3A_52 = arith.constant 0 : index
    %get3A_53 = arith.constant 0 : index
    %get3A_54 = arith.constant 0 : index
    %get3A_55 = vector.load %arg8[%get3A_52, %get3A_53, %get3A_54] : memref<1x1000x16xf32, #tpu.memory_space<vmem>>, vector<1x1000x16xf32>
    %slice3A_56 = vector.extract_strided_slice %get3A_55 {offsets = [0, 0, 0], sizes = [1, 1000, 1], strides = [1, 1, 1]} : vector<1x1000x16xf32> to vector<1x1000x1xf32>
    %squeeze3A_57 = vector.shape_cast %slice3A_56 : vector<1x1000x1xf32> to vector<1000x1xf32>
    %max3A_58 = arith.constant 1.000000e+00 : f32
    %max3A_59 = vector.broadcast %max3A_58 : f32 to vector<1000x1xf32>
    %max3A_60 = arith.maximumf %squeeze3A_57, %max3A_59 : vector<1000x1xf32>
    %rsqrt3A_61 = math.rsqrt %max3A_60 : vector<1000x1xf32>
    %mul3A_62 = vector.broadcast %rsqrt3A_61 : vector<1000x1xf32> to vector<1000x64xf32>
    %mul3A_63 = arith.mulf %dot_general3A_51, %mul3A_62 : vector<1000x64xf32>
    %swap3A = arith.constant 0 : index
    %swap3A_64 = arith.constant 0 : index
    %swap3A_65 = vector.load %arg9[%swap3A, %swap3A_64] : memref<1000x64xf32, #tpu.memory_space<vmem>>, vector<1000x64xf32>
    tpu.vector_store %arg9[%swap3A, %swap3A_64], %mul3A_63 {strides = array<i32>} : memref<1000x64xf32, #tpu.memory_space<vmem>>, vector<1000x64xf32>,
    return
  }
  func.func @transform_0(%arg0: i32, %arg1: i32) -> (i32, i32) {
    %c0_i32 = arith.constant 0 : i32
    %c0_i32_0 = arith.constant 0 : i32
    return %arg1, %c0_i32 : i32, i32
  }
  func.func @transform_1(%arg0: i32, %arg1: i32) -> (i32, i32) {
    %add3A = arith.constant 10 : i32
    %add3A_0 = arith.addi %add3A, %arg1 : i32
    %c0_i32 = arith.constant 0 : i32
    %c0_i32_1 = arith.constant 0 : i32
    return %add3A_0, %c0_i32 : i32, i32
  }
  func.func @transform_2(%arg0: i32, %arg1: i32) -> (i32, i32, i32) {
    %c1_i32 = arith.constant 1 : i32
    %c0_i32 = arith.constant 0 : i32
    %c0_i32_0 = arith.constant 0 : i32
    return %c1_i32, %arg1, %c0_i32 : i32, i32, i32
  }
  func.func @transform_3(%arg0: i32, %arg1: i32) -> (i32, i32, i32) {
    %add3A = arith.constant 10 : i32
    %add3A_0 = arith.addi %add3A, %arg1 : i32
    %c1_i32 = arith.constant 1 : i32
    %c0_i32 = arith.constant 0 : i32
    %c0_i32_1 = arith.constant 0 : i32
    return %c1_i32, %add3A_0, %c0_i32 : i32, i32, i32
  }
  func.func @transform_4(%arg0: i32, %arg1: i32) -> (i32, i32) {
    %c0_i32 = arith.constant 0 : i32
    %c0_i32_0 = arith.constant 0 : i32
    %c0_i32_1 = arith.constant 0 : i32
    return %c0_i32, %c0_i32_0 : i32, i32
  }
  func.func @transform_5(%arg0: i32, %arg1: i32) -> (i32, i32, i32) {
    %c0_i32 = arith.constant 0 : i32
    %c0_i32_0 = arith.constant 0 : i32
    %c0_i32_1 = arith.constant 0 : i32
    return %arg0, %c0_i32, %c0_i32_0 : i32, i32, i32
  }
  func.func @transform_6(%arg0: i32, %arg1: i32) -> (i32, i32, i32) {
    %mul3A = arith.constant 10 : i32
    %mul3A_0 = arith.muli %arg0, %mul3A : i32
    %add3A = arith.addi %mul3A_0, %arg1 : i32
    %c0_i32 = arith.constant 0 : i32
    %c0_i32_1 = arith.constant 0 : i32
    %c0_i32_2 = arith.constant 0 : i32
    return %c0_i32, %add3A, %c0_i32_1 : i32, i32, i32
  }
  func.func @transform_7(%arg0: i32, %arg1: i32) -> (i32, i32) {
    %mul3A = arith.constant 10 : i32
    %mul3A_0 = arith.muli %arg0, %mul3A : i32
    %add3A = arith.addi %mul3A_0, %arg1 : i32
    %c0_i32 = arith.constant 0 : i32
    %c0_i32_1 = arith.constant 0 : i32
    return %add3A, %c0_i32 : i32, i32
  }
}

module attributes {stable_mosaic.version = 14 : i64} {
  func.func @_fin_body(%arg0: i32, %arg1: memref<1000x64xf32, #tpu.memory_space<vmem>>, %arg2: memref<1000x64xf32, #tpu.memory_space<vmem>>, %arg3: memref<1x1000x16xf32, #tpu.memory_space<vmem>>, %arg4: memref<1x1000x16xf32, #tpu.memory_space<vmem>>, %arg5: memref<2x64xf32, #tpu.memory_space<vmem>>, %arg6: memref<1000x64xf32, #tpu.memory_space<vmem>>) attributes {dimension_semantics = [#tpu.dimension_semantics<arbitrary>], iteration_bounds = array<i64: 10>, scalar_prefetch = 0 : i64, scratch_operands = 0 : i64, tpu.core_type = #tpu.core_type<tc>, window_params = [{transform_indices = @transform_0, window_bounds = array<i64: 1000, 64>}, {transform_indices = @transform_1, window_bounds = array<i64: 1000, 64>}, {transform_indices = @transform_2, window_bounds = array<i64: 1, 1000, 16>}, {transform_indices = @transform_3, window_bounds = array<i64: 1, 1000, 16>}, {pipeline_mode = #tpu.pipeline_mode<synchronous>, transform_indices = @transform_4, window_bounds = array<i64: 2, 64>}, {transform_indices = @transform_5, window_bounds = array<i64: 1000, 64>}]} {
    %get3A = arith.constant 0 : index
    %get3A_0 = arith.constant 0 : index
    %get3A_1 = vector.load %arg1[%get3A, %get3A_0] : memref<1000x64xf32, #tpu.memory_space<vmem>>, vector<1000x64xf32>
    %get3A_2 = arith.constant 0 : index
    %get3A_3 = arith.constant 0 : index
    %get3A_4 = arith.constant 0 : index
    %get3A_5 = vector.load %arg3[%get3A_2, %get3A_3, %get3A_4] : memref<1x1000x16xf32, #tpu.memory_space<vmem>>, vector<1x1000x16xf32>
    %slice3A = vector.extract_strided_slice %get3A_5 {offsets = [0, 0, 0], sizes = [1, 1000, 1], strides = [1, 1, 1]} : vector<1x1000x16xf32> to vector<1x1000x1xf32>
    %squeeze3A = vector.shape_cast %slice3A : vector<1x1000x1xf32> to vector<1000x1xf32>
    %max3A = arith.constant 1.000000e+00 : f32
    %max3A_6 = vector.broadcast %max3A : f32 to vector<1000x1xf32>
    %max3A_7 = arith.maximumf %squeeze3A, %max3A_6 : vector<1000x1xf32>
    %rsqrt3A = math.rsqrt %max3A_7 : vector<1000x1xf32>
    %mul3A = vector.broadcast %rsqrt3A : vector<1000x1xf32> to vector<1000x64xf32>
    %mul3A_8 = arith.mulf %get3A_1, %mul3A : vector<1000x64xf32>
    %get3A_9 = arith.constant 0 : index
    %get3A_10 = arith.constant 0 : index
    %get3A_11 = vector.load %arg5[%get3A_9, %get3A_10] : memref<2x64xf32, #tpu.memory_space<vmem>>, vector<1x64xf32>
    %get3A_12 = vector.shape_cast %get3A_11 : vector<1x64xf32> to vector<64xf32>
    %broadcast_in_dim3A = vector.shape_cast %get3A_12 : vector<64xf32> to vector<1x64xf32>
    %add3A = vector.broadcast %broadcast_in_dim3A : vector<1x64xf32> to vector<1000x64xf32>
    %add3A_13 = arith.addf %mul3A_8, %add3A : vector<1000x64xf32>
    %get3A_14 = arith.constant 0 : index
    %get3A_15 = arith.constant 0 : index
    %get3A_16 = vector.load %arg2[%get3A_14, %get3A_15] : memref<1000x64xf32, #tpu.memory_space<vmem>>, vector<1000x64xf32>
    %get3A_17 = arith.constant 0 : index
    %get3A_18 = arith.constant 0 : index
    %get3A_19 = arith.constant 0 : index
    %get3A_20 = vector.load %arg4[%get3A_17, %get3A_18, %get3A_19] : memref<1x1000x16xf32, #tpu.memory_space<vmem>>, vector<1x1000x16xf32>
    %slice3A_21 = vector.extract_strided_slice %get3A_20 {offsets = [0, 0, 0], sizes = [1, 1000, 1], strides = [1, 1, 1]} : vector<1x1000x16xf32> to vector<1x1000x1xf32>
    %squeeze3A_22 = vector.shape_cast %slice3A_21 : vector<1x1000x1xf32> to vector<1000x1xf32>
    %max3A_23 = arith.constant 1.000000e+00 : f32
    %max3A_24 = vector.broadcast %max3A_23 : f32 to vector<1000x1xf32>
    %max3A_25 = arith.maximumf %squeeze3A_22, %max3A_24 : vector<1000x1xf32>
    %rsqrt3A_26 = math.rsqrt %max3A_25 : vector<1000x1xf32>
    %mul3A_27 = vector.broadcast %rsqrt3A_26 : vector<1000x1xf32> to vector<1000x64xf32>
    %mul3A_28 = arith.mulf %get3A_16, %mul3A_27 : vector<1000x64xf32>
    %get3A_29 = arith.constant 1 : index
    %get3A_30 = arith.constant 0 : index
    %get3A_31 = vector.load %arg5[%get3A_29, %get3A_30] : memref<2x64xf32, #tpu.memory_space<vmem>>, vector<1x64xf32>
    %get3A_32 = vector.shape_cast %get3A_31 : vector<1x64xf32> to vector<64xf32>
    %broadcast_in_dim3A_33 = vector.shape_cast %get3A_32 : vector<64xf32> to vector<1x64xf32>
    %add3A_34 = vector.broadcast %broadcast_in_dim3A_33 : vector<1x64xf32> to vector<1000x64xf32>
    %add3A_35 = arith.addf %mul3A_28, %add3A_34 : vector<1000x64xf32>
    %add3A_36 = arith.addf %add3A_13, %add3A_35 : vector<1000x64xf32>
    %mul3A_37 = arith.constant 5.000000e-01 : f32
    %mul3A_38 = vector.broadcast %mul3A_37 : f32 to vector<1000x64xf32>
    %mul3A_39 = arith.mulf %add3A_36, %mul3A_38 : vector<1000x64xf32>
    %swap3A = arith.constant 0 : index
    %swap3A_40 = arith.constant 0 : index
    %swap3A_41 = vector.load %arg6[%swap3A, %swap3A_40] : memref<1000x64xf32, #tpu.memory_space<vmem>>, vector<1000x64xf32>
    tpu.vector_store %arg6[%swap3A, %swap3A_40], %mul3A_39 {strides = array<i32>} : memref<1000x64xf32, #tpu.memory_space<vmem>>, vector<1000x64xf32>,
    return
  }
  func.func @transform_0(%arg0: i32) -> (i32, i32) {
    %c0_i32 = arith.constant 0 : i32
    %c0_i32_0 = arith.constant 0 : i32
    return %arg0, %c0_i32 : i32, i32
  }
  func.func @transform_1(%arg0: i32) -> (i32, i32) {
    %add3A = arith.constant 10 : i32
    %add3A_0 = arith.addi %add3A, %arg0 : i32
    %c0_i32 = arith.constant 0 : i32
    %c0_i32_1 = arith.constant 0 : i32
    return %add3A_0, %c0_i32 : i32, i32
  }
  func.func @transform_2(%arg0: i32) -> (i32, i32, i32) {
    %c1_i32 = arith.constant 1 : i32
    %c0_i32 = arith.constant 0 : i32
    %c0_i32_0 = arith.constant 0 : i32
    return %c1_i32, %arg0, %c0_i32 : i32, i32, i32
  }
  func.func @transform_3(%arg0: i32) -> (i32, i32, i32) {
    %add3A = arith.constant 10 : i32
    %add3A_0 = arith.addi %add3A, %arg0 : i32
    %c1_i32 = arith.constant 1 : i32
    %c0_i32 = arith.constant 0 : i32
    %c0_i32_1 = arith.constant 0 : i32
    return %c1_i32, %add3A_0, %c0_i32 : i32, i32, i32
  }
  func.func @transform_4(%arg0: i32) -> (i32, i32) {
    %c0_i32 = arith.constant 0 : i32
    %c0_i32_0 = arith.constant 0 : i32
    %c0_i32_1 = arith.constant 0 : i32
    return %c0_i32, %c0_i32_0 : i32, i32
  }
  func.func @transform_5(%arg0: i32) -> (i32, i32) {
    %c0_i32 = arith.constant 0 : i32
    %c0_i32_0 = arith.constant 0 : i32
    return %arg0, %c0_i32 : i32, i32
  }
}

</mosaic_0001>

<sc_bundles>
// kernel: kernel.11.cloned.1.call-start
scs
__scs_entry_jumppad:
0x0: {  	(pc) =	sbr.rel $0x88, $3  }
0x1: {  	(tag) =	ssettag $0x0;
	lr =	simm.s32 $0x1  }
0x2: {  	[smem:$0x3F96] =	sst lr;
	_ =	strace $0xD0000000  }
0x3: {  	_ = 	snop  }
0x4: {  	_ = 	snop  }
0x5: {  	_ = 	snop  }
0x6: {  	_ = 	snop  }
0x7: {  	_ = 	snop  }
__scs_overlays_trampoline_lowered:
0x8: {  	[smem:$0x3FA5] =	sst s0  }
0x9: {  	[smem:$0x3FA6] =	sst s1  }
0xa: {  	[smem:$0x3FA7] =	sst s2  }
0xb: {  	[smem:$0x3FA8] =	sst s3  }
0xc: {  	[smem:$0x3FA9] =	sst s4  }
0xd: {  	[smem:$0x3FAA] =	sst s5  }
0xe: {  	[smem:$0x3FAB] =	sst s6  }
0xf: {  	[smem:$0x3FAC] =	sst s7  }
0x10: {  	[smem:$0x3FAD] =	sst s8  }
0x11: {  	[smem:$0x3FAE] =	sst s9;
	s0 =	simm.s32 @!p0 $0x0  }
0x12: {  	s1 =	sld [smem:$0x3F94];
	s0 =	simm.s32 @p0 $0x1  }
0x13: {  	[smem:$0x3FAF] =	sst s0;
	s0 =	simm.s32 @!p1 $0x0  }
0x14: {  	s2 =	sld [smem:$0x3F93];
	s0 =	simm.s32 @p1 $0x1  }
0x15: {  	[smem:$0x3FB0] =	sst s0;
	s0 =	simm.s32 @!p2 $0x0  }
0x16: {  	s3 =	sld [smem:$0x3FDB];
	s0 =	simm.s32 @p2 $0x1  }
0x17: {  	s4 =	simm.s32 $0x1BF5;
	[smem:$0x3FB2] =	sst s0  }
0x18: {  	s0 =	sld [smem:$0x3F95];
	_ =	swait.ge [sflag:s4], $0x0  }
0x19: {  	s7 =	sld [smem:$0x3F96]  }
0x1a: {  	s8 =	sadd.s32 $0xFFFFE003, lr  }
0x1b: {  	s9 =	sadd.s32 $0xFFFFFEF7, lr;
	s5 =	simm.s32 $0xFFFFFFFF;
	p2 =	slt.u32 s8, $0xFFFFF086  }
0x1c: {  	p1 =	slt.u32 s9, $0xF7A;
	s5 =	simm.s32 @!p2 $0x0  }
0x1d: {  	s5 =	simm.s32 @p1 $0x1;
	p0 =	seq.s32 s7, s2  }
0x1e: {  	s7 =	smul.u32 @!p0 $0xF7A, s2;
	p2 =	seq.s32 @!p0 s5, $0x0  }
0x1f: {  	s9 =	smul.u32 $0xF7A, s1;
	s8 =	simm.s32 @!p0 $0x1BF5;
	p2 =	por !p2, p0  }
0x20: {  	[sflag:s8] =	ssyncset.s32 @!p0 $0xFFFFF086;
	s6 =	sadd.s32 @!p0 s3, s7;
	s7 =	simm.s32 @!p0 $0x108  }
0x21: {  	s3 =	sadd.s32 s3, s9;
	s6 =	sadd.s32 @!p0 $0x88, s6;
	s7 =	simm.s32 @p2 $0x1082  }
0x22: {  	[simem:s7], [sflag:s8] =	dma.local @!p0 [hbm:s6], $0xF7A  }
0x23: {  	s9 =	sor.u32 $0xD0000000, s2;
	s6 =	simm.s32 $0x108;
	_ =	swait.ge @!p0 [sflag:s8], $0x0  }
0x24: {  	s3 =	sadd.s32 $0x88, s3;
	s6 =	simm.s32 @!p1 $0x1082;
	[sflag:s4] =	ssyncset.s32 $0xFFFFF086  }
0x25: {  	[simem:s6], [sflag:s4] =	dma.local [hbm:s3], $0xF7A  }
0x26: {  	[smem:$0x3F96] =	sst s1;
	(tag) =	ssettag s2;
	_ =	strace s9  }
0x27: {  	s1 =	sld [smem:$0x3FA6]  }
0x28: {  	s2 =	sld [smem:$0x3FA7]  }
0x29: {  	s4 =	sld [smem:$0x3FA9]  }
0x2a: {  	p0 =	seq.s32 s5, $0x0;
	s5 =	sld [smem:$0x3FAA]  }
0x2b: {  	s6 =	sld [smem:$0x3FAB]  }
0x2c: {  	s7 =	sld [smem:$0x3FAC]  }
0x2d: {  	s3 =	simm.s32 $0x108;
	s8 =	sld [smem:$0x3FAD]  }
0x2e: {  	s3 =	simm.s32 @!p0 $0x1082;
	s9 =	sld [smem:$0x3FAE]  }
0x2f: {  	lr =	sadd.s32 s0, s3;
	s0 =	sld [smem:$0x3FA5]  }
0x30: {  	s3 =	sld [smem:$0x3FA8]  }
0x31: {  	[smem:$0x3FB1] =	sst s10  }
0x32: {  	s10 =	sld [smem:$0x3FAF];
	_ =	sdelay $0x3  }
0x33: {  	p0 =	seq.s32 s10, $0x1;
	s10 =	sld [smem:$0x3FB1];
	_ =	sdelay $0x3  }
0x34: {  	[smem:$0x3FB1] =	sst s10  }
0x35: {  	s10 =	sld [smem:$0x3FB0];
	_ =	sdelay $0x3  }
0x36: {  	p1 =	seq.s32 s10, $0x1;
	s10 =	sld [smem:$0x3FB1];
	_ =	sdelay $0x3  }
0x37: {  	[smem:$0x3FB1] =	sst s10  }
0x38: {  	s10 =	sld [smem:$0x3FB2]  }
0x39: {  	_ = 	snop;
	(pc) =	sbr.ind lr, $3  }
0x3a: {  	_ = 	snop  }
0x3b: {  	_ = 	snop  }
0x3c: {  	p2 =	seq.s32 s10, $0x1;
	s10 =	sld [smem:$0x3FB1]  }
0x3d: {  	_ =	shalt  }
0x3e: {  	_ =	shalt  }
0x3f: {  	_ =	shalt  }
0x40: {  	_ =	shalt  }
0x41: {  	_ =	shalt  }
0x42: {  	_ =	shalt  }
0x43: {  	_ =	shalt  }
0x44: {  	_ =	shalt  }
0x45: {  	_ =	shalt  }
0x46: {  	_ =	shalt  }
0x47: {  	_ =	shalt  }
0x48: {  	_ =	shalt  }
0x49: {  	_ =	shalt  }
0x4a: {  	_ =	shalt  }
0x4b: {  	_ =	shalt  }
0x4c: {  	_ =	shalt  }
0x4d: {  	_ =	shalt  }
0x4e: {  	_ =	shalt  }
0x4f: {  	_ =	shalt  }
0x50: {  	_ =	shalt  }
0x51: {  	_ =	shalt  }
0x52: {  	_ =	shalt  }
0x53: {  	_ =	shalt  }
0x54: {  	_ =	shalt  }
0x55: {  	_ =	shalt  }
0x56: {  	_ =	shalt  }
0x57: {  	_ =	shalt  }
0x58: {  	_ =	shalt  }
0x59: {  	_ =	shalt  }
0x5a: {  	_ =	shalt  }
0x5b: {  	_ =	shalt  }
0x5c: {  	_ =	shalt  }
0x5d: {  	_ =	shalt  }
0x5e: {  	_ =	shalt  }
0x5f: {  	_ =	shalt  }
0x60: {  	_ =	shalt  }
0x61: {  	_ =	shalt  }
0x62: {  	_ =	shalt  }
0x63: {  	_ =	shalt  }
0x64: {  	_ =	shalt  }
0x65: {  	_ =	shalt  }
0x66: {  	_ =	shalt  }
0x67: {  	_ =	shalt  }
0x68: {  	_ =	shalt  }
0x69: {  	_ =	shalt  }
0x6a: {  	_ =	shalt  }
0x6b: {  	_ =	shalt  }
0x6c: {  	_ =	shalt  }
0x6d: {  	_ =	shalt  }
0x6e: {  	_ =	shalt  }
0x6f: {  	_ =	shalt  }
0x70: {  	_ =	shalt  }
0x71: {  	_ =	shalt  }
0x72: {  	_ =	shalt  }
0x73: {  	_ =	shalt  }
0x74: {  	_ =	shalt  }
0x75: {  	_ =	shalt  }
0x76: {  	_ =	shalt  }
0x77: {  	_ =	shalt  }
0x78: {  	_ =	shalt  }
0x79: {  	_ =	shalt  }
0x7a: {  	_ =	shalt  }
0x7b: {  	_ =	shalt  }
0x7c: {  	_ =	shalt  }
0x7d: {  	_ =	shalt  }
0x7e: {  	_ =	shalt  }
0x7f: {  	_ =	shalt  }
0x80: {  	_ =	shalt  }
0x81: {  	_ =	shalt  }
0x82: {  	_ =	shalt  }
0x83: {  	_ =	shalt  }
0x84: {  	_ =	shalt  }
0x85: {  	_ =	shalt  }
0x86: {  	_ =	shalt  }
0x87: {  	_ =	shalt  }
.Lfunc_end0:
.L_simem_size_0:
called_computation.1_lowered:
.L_overlay_start_0:
0x88: {  	s2 =	sld [smem:$0x3FD9]  }
0x89: {  	s3 =	sld [smem:$0x3FFE];
	_ =	sdelay $0x1  }
0x8a: {  	s1 =	srdreg.scid  }
0x8b: {  	s0 =	sand.u32 $0x1, s1  }
0x8c: {  	s17 =	sshll.u32 s0, $0xA;
	s2 =	sadd.s32 s3, s2  }
0x8d: {  	s2 =	sadd.s32 s2, s17  }
0x8e: {  	[smem:$0x3FBD] =	sst s2  }
0x8f: {  	_ = 	snop  }
0x90: {  	s2 =	sld [smem:$0x3FD0];
	(tm) =	ssettm $0x1  }
0x91: {  	s18 =	sld [smem:$0x3FFB];
	_ =	sdelay $0x3  }
0x92: {  	_ =	strace s18  }
0x93: {  	s3 =	sld [smem:$0x3FFC];
	_ =	sdelay $0x3  }
0x94: {  	_ =	strace s3  }
0x95: {  	s3 =	sld [smem:$0x3FFD];
	_ =	sdelay $0x3  }
0x96: {  	_ =	strace s3  }
0x97: {  	_ =	strace $0x8FFFFFFF  }
0x98: {  	s19 =	sld [smem:$0x3FDB];
	_ =	sdelay $0x1  }
0x99: {  	s4 =	simm.s32 $_scs_section_size  }
0x9a: {  	s5 =	simm.s32 $_size__tile_overlayer_lowered;
	s6 =	simm.s32 $_tile_overlayer_lowered  }
0x9b: {  	s22 =	simm.s32 $0x1BFF;
	s21 =	sshll.u32 s6, $0x1;
	s3 =	sadd.s32 s4, s19  }
0x9c: {  	s7 =	simm.s32 $0x0;
	s20 =	sshll.u32 s5, $0x1;
	s5 =	sadd.s32 s21, s3  }
0x9d: {  	[timem:s7], [sflag:s22] =	dma.local [hbm:s5], s20  }
0x9e: {  	_ =	swait.ge [sflag:s22], s20  }
0x9f: {  	s4 =	ssub.s32 $0x0, s20;
	[sflag:s22] =	ssyncset.done $0x0  }
0xa0: {  	[sflag:s22] =	ssyncadd.s32 s4;
	_ =	sdelay $0x1  }
0xa1: {  	s23 =	simm.s32 $0x1B8B  }
0xa2: {  	_ =	swait.ge [sflag:s23], $0x1  }
0xa3: {  	[sflag:s23] =	ssyncset.done $0x0  }
0xa4: {  	s25 =	simm.s32 $0x1B8E;
	s24 =	sld [smem:$0x3FFE];
	[sflag:s23] =	ssyncadd.s32 $0xFFFFFFFF  }
0xa5: {  	s26 =	simm.s32 $execute0_lowered;
	[smem:$0x3FD2] =	sst s25  }
0xa6: {  	s5 =	sshll.u32 s26, $0x1;
	_ =	strace $0x80000049;
	[dreg:$0x1] =	wrdreg $0xFFFFFFFF  }
0xa7: {  	s28 =	simm.s32 $_size_execute0_lowered;
	s3 =	sadd.s32 s3, s5;
	[dreg:$0x0] =	wrdreg $0x0  }
0xa8: {  	s5 =	sshll.u32 s28, $0x1;
	[dreg:$0x2] =	wrdreg s3  }
0xa9: {  	[dreg:$0x3] =	wrdreg s5  }
0xaa: {  	[dreg:$0x4] =	wrdreg $0xC0  }
0xab: {  	_ =	task [dreg:s7], $0x5FFFF  }
0xac: {  	[dreg:$0x1] =	wrdreg $0xFFFFFFFF  }
0xad: {  	[dreg:$0x0] =	wrdreg $0x60  }
0xae: {  	[dreg:$0x2] =	wrdreg s24  }
0xaf: {  	[dreg:$0x3] =	wrdreg s2  }
0xb0: {  	[dreg:$0x4] =	wrdreg $0x0  }
0xb1: {  	[dreg:$0x5] =	wrdreg $0x9  }
0xb2: {  	_ =	task.clear_ibuf [dreg:s7], $0x6FFFF;
	_ =	strace $0x90000049  }
0xb3: {  	s29 =	simm.s32 $0x9;
	_ =	strace $0x8000004B  }
0xb4: {  	_ =	swait.ge [sflag:s29], $0x1  }
0xb5: {  	[sflag:s29] =	ssyncadd.s32 $0xFFFFFFFF  }
0xb6: {  	_ =	strace $0x9000004B  }
0xb7: {  	_ =	sfence  }
0xb8: {  	s30 =	sld [smem:$0x0];
	_ =	sdelay $0x2  }
0xb9: {  	s31 =	sshll.u32 s1, $0xD;
	s1 =	sshrl.u32 s1, $0x2  }
0xba: {  	s3 =	sand.u32 $0x4000, s31;
	s1 =	sadd.s32 s1, s30  }
0xbb: {  	s0 =	sor.u32 s3, s0;
	s1 =	sshll.u32 s1, $0x11  }
0xbc: {  	s0 =	sor.u32 s1, s0  }
0xbd: {  	s0 =	sadd.s32 $0x8F2B, s0  }
0xbe: {  	[sflag:s0] =	ssyncadd.remote.s32 $0x1  }
0xbf: {  	_ =	sfence.sel $0xFFFF  }
0xc0: {  	[dreg:$0x0] =	wrdreg $0xFFFFFFFF;
	(pc) =	sbr.abs _section_cstart, $3  }
0xc1: {  	[dreg:$0x1] =	wrdreg $0xFFFFFFFF  }
0xc2: {  	_ =	task.clear_ibuf [dreg:s7], $0x2FFFF;
	_ =	strace $0x9FFFFFFF  }
0xc3: {  	(tm) =	ssettm $0x7FFFFFFF  }
tec
execute0_lowered:
.L_overlay_start_1:
0x0: {  	(tag) =	ssettag $0x1  }
0x1: {  	s6 =	rddreg [dreg:$0x0]  }
0x2: {  	s1 =	rddreg [dreg:$0x1]  }
0x3: {  	s0 =	srdreg.scid;
	s2 =	rddreg [dreg:$0x2]  }
0x4: {  	s4 =	simm.s32 $0x0;
	s3 =	stileid.u32;
	s15 =	simm.s32 $0x2  }
0x5: {  	s16 =	simm.s32 $0x13940;
	s17 =	simm.s32 $0x80;
	s9 =	smul.u32 $0x4E000, s3  }
0x6: {  	s18 =	simm.s32 $0x139C0;
	s19 =	simm.s32 $0x1;
	s29 =	smul.u32 $0x2700, s3  }
0x7: {  	s7 =	sand.u32 $0x1, s0;
	s0 =	rddreg [dreg:$0x3];
	s30 =	smul.u32 $0xA00, s3  }
0x8: {  	s20 =	simm.s32 $0x0;
	[smem:$0x7FF] =	sst s4;
	s5 =	smul.u32 $0xA000, s7  }
0x9: {  	s14 =	sadd.s32 $0x124800, s2;
	p0 =	seq.s32 s3, $0xF;
	s11 =	smul.u32 $0x27100, s7  }
0xa: {  	_ =	strace $0x8000004A;
	s10 =	ssub.s32 $0x2, s7;
	s7 =	smul.u32 $0x138800, s7  }
0xb: {  	s12 =	sshrl.u32 s10, $0x1;
	s9 =	sshrl.u32 s9, $0x2;
	s8 =	sadd.s32 s5, s6  }
0xc: {  	s5 =	sadd.s32 $0xEDA00, s6;
	s6 =	sadd.s32 $0x13BC00, s6;
	s10 =	ssub.s32 s10, s12  }
0xd: {  	s13 =	sadd.s32 s9, s2;
	s7 =	sshrl.u32 s7, $0x3;
	s11 =	sadd.s32 s29, s11  }
0xe: {  	s12 =	sshll.u32 @!p0 s3, $0x6;
	s7 =	sadd.s32 s6, s7;
	s6 =	sadd.s32 s6, s11  }
0xf: {  	s31 =	sadd.s32 s30, s8;
	s8 =	smax.u32 s10, $0x1;
	s11 =	sshrl.u32 @p0 s14, $0x3  }
0x10: {  	s12 =	sor.u32 @!p0 $0x1C02, s12;
	s13 =	sshrl.u32 @!p0 s13, $0x3;
	s14 =	simm.s32 $0x138C0  }
0x11: {  	s7 =	sadd.s32 $0x24900, s7;
	s9 =	sadd.s32 $0x29600, s31;
	s10 =	sadd.s32 $0x3D600, s31  }
.LBB2_1:
0x12: {  	s21 =	simm.s32 @p0 $0x1FC2  }
0x13: {  	[spmem:s11], [sflag:s21] =	dma.local @p0 [hbm:s1], $0x2800  }
0x14: {  	s21 =	simm.s32 @p0 $0x2  }
0x15: {  	_ =	swait.ge @p0 [sflag:s21], $0x2800  }
0x16: {  	[sflag:s21] =	ssyncset.done @p0 $0x0  }
0x17: {  	[sflag:s21] =	ssyncadd.s32 @p0 $0xFFFFD800;
	s21 =	simm.s32 @!p0 $0x2  }
0x18: {  	[spmem:s13], [sflag:s12] =	dma.local @!p0 [hbm:s1], $0x2700  }
0x19: {  	_ =	swait.ge @!p0 [sflag:s21], $0x2700  }
0x1a: {  	[sflag:s21] =	ssyncset.done @!p0 $0x0  }
0x1b: {  	[sflag:s21] =	ssyncadd.s32 @!p0 $0xFFFFD900  }
0x1c: {  	s30 =	sadd.s32 $0x0, s10;
	[bflag:$0x0] =	sbarrier.arrive $0xFFFF  }
0x1d: {  	[tilespmem:s14], [sflag:$0x2] =	stream.linear.gather [hbm4b:s30+s4], $0x80, $0x38;
	[tilespmem:$0x179C0] =	vst v63  }
0x1e: {  	_ =	swait.ge [sflag:s15], $0x80  }
0x1f: {  	[sflag:s15] =	ssyncset.done $0x0  }
0x20: {  	s31 =	sadd.s32 $0x0, s9;
	[sflag:s15] =	ssyncadd.s32 $0xFFFFFF80  }
0x21: {  	[tilespmem:s16], [sflag:$0x2] =	stream.linear.gather [hbm4b:s31+s4], $0x80, $0x38;
	[tilespmem:$0x179C0] =	vst v63  }
0x22: {  	_ =	swait.ge [sflag:s15], $0x80  }
0x23: {  	[sflag:s15] =	ssyncset.done $0x0  }
0x24: {  	[sflag:s15] =	ssyncadd.s32 $0xFFFFFF80  }
0x25: {  	[tilespmem:s18], [sflag:$0x1] =	stream.indirect.gather [hbm4b:s5+s17], $0x80, s14, s17, $0xb8;
	[tilespmem:$0x179C0] =	vst v63  }
0x26: {  	_ =	swait.ge [sflag:s19], $0x4000  }
0x27: {  	[sflag:s19] =	ssyncset.done $0x0  }
0x28: {  	[sflag:s19] =	ssyncadd.s32 $0xFFFFC000  }
0x29: {  	[spmem:s2] =	stream.indirect.scatter.add.f32 [tilespmem:s18], [sflag:$0x2], $0x80, s16, s17, $0xb8;
	[tilespmem:$0x179C0] =	vst v63  }
0x2a: {  	_ =	swait.ge [sflag:s15], $0x4000  }
0x2b: {  	s22 =	simm.s32 $0x20;
	s21 =	simm.s32 $0x10;
	[sflag:s15] =	ssyncset.done $0x0  }
.LBB2_2:
0x2c: {  	s23 =	sadd.s32 s21, s10  }
0x2d: {  	[sflag:s15] =	ssyncadd.s32 $0xFFFFC000;
	s24 =	smov.u32 s22;
	s25 =	sadd.s32 $0x10, s22  }
0x2e: {  	[tilespmem:s14], [sflag:$0x2] =	stream.linear.gather [hbm4b:s23+s4], $0x80, $0x38;
	[tilespmem:$0x179C0] =	vst v63  }
0x2f: {  	p1 =	sne.s32 s22, $0x9F0;
	_ =	swait.ge [sflag:s15], $0x80  }
0x30: {  	[sflag:s15] =	ssyncset.done $0x0  }
0x31: {  	s22 =	sadd.s32 s21, s9;
	s21 =	smov.u32 s24;
	[sflag:s15] =	ssyncadd.s32 $0xFFFFFF80  }
0x32: {  	[tilespmem:s16], [sflag:$0x2] =	stream.linear.gather [hbm4b:s22+s4], $0x80, $0x38;
	[tilespmem:$0x179C0] =	vst v63  }
0x33: {  	_ =	swait.ge [sflag:s15], $0x80  }
0x34: {  	[sflag:s15] =	ssyncset.done $0x0  }
0x35: {  	[sflag:s15] =	ssyncadd.s32 $0xFFFFFF80  }
0x36: {  	[tilespmem:s18], [sflag:$0x1] =	stream.indirect.gather [hbm4b:s5+s17], $0x80, s14, s17, $0xb8;
	[tilespmem:$0x179C0] =	vst v63  }
0x37: {  	_ =	swait.ge [sflag:s19], $0x4000  }
.Ltmp0:
0x38: {  	[sflag:s19] =	ssyncset.done $0x0;
	(pc) =	sbr.rel @p1 .LBB2_2-.Ltmp0, $4  }
0x39: {  	[sflag:s19] =	ssyncadd.s32 $0xFFFFC000  }
0x3a: {  	[spmem:s2] =	stream.indirect.scatter.add.f32 [tilespmem:s18], [sflag:$0x2], $0x80, s16, s17, $0xb8;
	[tilespmem:$0x179C0] =	vst v63  }
0x3b: {  	_ =	swait.ge [sflag:s15], $0x4000  }
0x3c: {  	s22 =	smov.u32 s25;
	[sflag:s15] =	ssyncset.done $0x0  }
0x3d: {  	s22 =	sadd.s32 s21, s10;
	[sflag:s15] =	ssyncadd.s32 $0xFFFFC000  }
0x3e: {  	[tilespmem:s14], [sflag:$0x2] =	stream.linear.gather [hbm4b:s22+s4], $0x80, $0x38;
	[tilespmem:$0x179C0] =	vst v63  }
0x3f: {  	_ =	swait.ge [sflag:s15], $0x80  }
0x40: {  	[sflag:s15] =	ssyncset.done $0x0  }
0x41: {  	s31 =	sadd.s32 s21, s9;
	[sflag:s15] =	ssyncadd.s32 $0xFFFFFF80  }
0x42: {  	[tilespmem:s16], [sflag:$0x2] =	stream.linear.gather [hbm4b:s31+s4], $0x80, $0x38;
	[tilespmem:$0x179C0] =	vst v63  }
0x43: {  	_ =	swait.ge [sflag:s15], $0x80  }
0x44: {  	[sflag:s15] =	ssyncset.done $0x0  }
0x45: {  	[sflag:s15] =	ssyncadd.s32 $0xFFFFFF80  }
0x46: {  	[tilespmem:s18], [sflag:$0x1] =	stream.indirect.gather [hbm4b:s5+s17], $0x80, s14, s17, $0xb8;
	[tilespmem:$0x179C0] =	vst v63  }
0x47: {  	_ =	swait.ge [sflag:s19], $0x4000  }
0x48: {  	[sflag:s19] =	ssyncset.done $0x0  }
0x49: {  	[sflag:s19] =	ssyncadd.s32 $0xFFFFC000  }
0x4a: {  	[spmem:s2] =	stream.indirect.scatter.add.f32 [tilespmem:s18], [sflag:$0x2], $0x80, s16, s17, $0xb8;
	[tilespmem:$0x179C0] =	vst v63  }
0x4b: {  	_ =	swait.ge [sflag:s15], $0x4000  }
0x4c: {  	[sflag:s15] =	ssyncset.done $0x0  }
0x4d: {  	[sflag:s15] =	ssyncadd.s32 $0xFFFFC000  }
0x4e: {  	s21 =	simm.s32 @p0 $0x1FC2;
	[bflag:$0x0] =	sbarrier.arrive $0xFFFF  }
0x4f: {  	[hbm:s7], [sflag:s21] =	dma.local @p0 [spmem:s11], $0x2800  }
0x50: {  	s21 =	simm.s32 @p0 $0x2  }
0x51: {  	s20 =	sadd.s32 $0x1, s20;
	_ =	swait.ge @p0 [sflag:s21], $0x2800  }
0x52: {  	p1 =	sne.s32 s20, s8;
	[sflag:s21] =	ssyncset.done @p0 $0x0  }
.Ltmp1:
0x53: {  	[sflag:s21] =	ssyncadd.s32 @p0 $0xFFFFD800;
	s21 =	simm.s32 @!p0 $0x2;
	(pc) =	sbr.rel @p1 .LBB2_1-.Ltmp1, $4  }
0x54: {  	[hbm:s6], [sflag:s12] =	dma.local @!p0 [spmem:s13], $0x2700  }
0x55: {  	_ =	swait.ge @!p0 [sflag:s21], $0x2700  }
0x56: {  	[sflag:s21] =	ssyncset.done @!p0 $0x0  }
0x57: {  	[sflag:s21] =	ssyncadd.s32 @!p0 $0xFFFFD900  }
0x58: {  	_ =	sfence.sel $0x180000  }
0x59: {  	[bflag:$0x0] =	sbarrier.arrive $0xFFFF  }
0x5a: {  	p0 =	sne.s32 s3, $0x0;
	_ =	strace $0x9000004A  }
0x5b: {  	s0 =	sadd.s32 @!p0 $0x100000, s0;
	[bflag:$0x2] =	sbarrier.arrive $0xFFFF  }
0x5c: {  	[sflag:s0] =	ssyncadd.tile.s32 @!p0 $0x1;
	_ =	shalt  }
.Lfunc_end2:
_tile_overlayer_lowered:
.L_overlay_start_2:
0x5d: {  	(tag) =	ssettag $0x2  }
0x5e: {  	s0 =	rddreg [dreg:$0x0];
	s2 =	stileid.u32  }
0x5f: {  	s1 =	rddreg [dreg:$0x1];
	p0 =	sne.s32 s2, $0x0  }
0x60: {  	s3 =	rddreg [dreg:$0x2];
	[bflag:$0x3] =	sbarrier.arrive $0xFFFF;
	s2 =	simm.s32 @!p0 $0x1C02  }
0x61: {  	[timem:s3], [sflag:s2] =	dma.local @!p0 [hbm:s0], s1  }
0x62: {  	s0 =	simm.s32 @!p0 $0x2  }
0x63: {  	_ =	swait.ge @!p0 [sflag:s0], s1  }
0x64: {  	s1 =	ssub.s32 @!p0 $0x0, s1;
	[sflag:s0] =	ssyncset.done @!p0 $0x0  }
0x65: {  	[sflag:s0] =	ssyncadd.s32 @!p0 s1  }
0x66: {  	[bflag:$0x3] =	sbarrier.arrive $0xFFFF  }
0x67: {  	_ =	shalt  }

// kernel: kernel.14.cloned.1.call-start
scs
__scs_entry_jumppad:
0x0: {  	(pc) =	sbr.rel $0x88, $3  }
0x1: {  	(tag) =	ssettag $0x0;
	lr =	simm.s32 $0x1  }
0x2: {  	[smem:$0x3F96] =	sst lr;
	_ =	strace $0xD0000000  }
0x3: {  	_ = 	snop  }
0x4: {  	_ = 	snop  }
0x5: {  	_ = 	snop  }
0x6: {  	_ = 	snop  }
0x7: {  	_ = 	snop  }
__scs_overlays_trampoline_lowered:
0x8: {  	[smem:$0x3FA5] =	sst s0  }
0x9: {  	[smem:$0x3FA6] =	sst s1  }
0xa: {  	[smem:$0x3FA7] =	sst s2  }
0xb: {  	[smem:$0x3FA8] =	sst s3  }
0xc: {  	[smem:$0x3FA9] =	sst s4  }
0xd: {  	[smem:$0x3FAA] =	sst s5  }
0xe: {  	[smem:$0x3FAB] =	sst s6  }
0xf: {  	[smem:$0x3FAC] =	sst s7  }
0x10: {  	[smem:$0x3FAD] =	sst s8  }
0x11: {  	[smem:$0x3FAE] =	sst s9;
	s0 =	simm.s32 @!p0 $0x0  }
0x12: {  	s1 =	sld [smem:$0x3F94];
	s0 =	simm.s32 @p0 $0x1  }
0x13: {  	[smem:$0x3FAF] =	sst s0;
	s0 =	simm.s32 @!p1 $0x0  }
0x14: {  	s2 =	sld [smem:$0x3F93];
	s0 =	simm.s32 @p1 $0x1  }
0x15: {  	[smem:$0x3FB0] =	sst s0;
	s0 =	simm.s32 @!p2 $0x0  }
0x16: {  	s3 =	sld [smem:$0x3FDB];
	s0 =	simm.s32 @p2 $0x1  }
0x17: {  	s4 =	simm.s32 $0x1BF5;
	[smem:$0x3FB2] =	sst s0  }
0x18: {  	s0 =	sld [smem:$0x3F95];
	_ =	swait.ge [sflag:s4], $0x0  }
0x19: {  	s7 =	sld [smem:$0x3F96]  }
0x1a: {  	s8 =	sadd.s32 $0xFFFFE003, lr  }
0x1b: {  	s9 =	sadd.s32 $0xFFFFFEF7, lr;
	s5 =	simm.s32 $0xFFFFFFFF;
	p2 =	slt.u32 s8, $0xFFFFF086  }
0x1c: {  	p1 =	slt.u32 s9, $0xF7A;
	s5 =	simm.s32 @!p2 $0x0  }
0x1d: {  	s5 =	simm.s32 @p1 $0x1;
	p0 =	seq.s32 s7, s2  }
0x1e: {  	s7 =	smul.u32 @!p0 $0xF7A, s2;
	p2 =	seq.s32 @!p0 s5, $0x0  }
0x1f: {  	s9 =	smul.u32 $0xF7A, s1;
	s8 =	simm.s32 @!p0 $0x1BF5;
	p2 =	por !p2, p0  }
0x20: {  	[sflag:s8] =	ssyncset.s32 @!p0 $0xFFFFF086;
	s6 =	sadd.s32 @!p0 s3, s7;
	s7 =	simm.s32 @!p0 $0x108  }
0x21: {  	s3 =	sadd.s32 s3, s9;
	s6 =	sadd.s32 @!p0 $0x88, s6;
	s7 =	simm.s32 @p2 $0x1082  }
0x22: {  	[simem:s7], [sflag:s8] =	dma.local @!p0 [hbm:s6], $0xF7A  }
0x23: {  	s9 =	sor.u32 $0xD0000000, s2;
	s6 =	simm.s32 $0x108;
	_ =	swait.ge @!p0 [sflag:s8], $0x0  }
0x24: {  	s3 =	sadd.s32 $0x88, s3;
	s6 =	simm.s32 @!p1 $0x1082;
	[sflag:s4] =	ssyncset.s32 $0xFFFFF086  }
0x25: {  	[simem:s6], [sflag:s4] =	dma.local [hbm:s3], $0xF7A  }
0x26: {  	[smem:$0x3F96] =	sst s1;
	(tag) =	ssettag s2;
	_ =	strace s9  }
0x27: {  	s1 =	sld [smem:$0x3FA6]  }
0x28: {  	s2 =	sld [smem:$0x3FA7]  }
0x29: {  	s4 =	sld [smem:$0x3FA9]  }
0x2a: {  	p0 =	seq.s32 s5, $0x0;
	s5 =	sld [smem:$0x3FAA]  }
0x2b: {  	s6 =	sld [smem:$0x3FAB]  }
0x2c: {  	s7 =	sld [smem:$0x3FAC]  }
0x2d: {  	s3 =	simm.s32 $0x108;
	s8 =	sld [smem:$0x3FAD]  }
0x2e: {  	s3 =	simm.s32 @!p0 $0x1082;
	s9 =	sld [smem:$0x3FAE]  }
0x2f: {  	lr =	sadd.s32 s0, s3;
	s0 =	sld [smem:$0x3FA5]  }
0x30: {  	s3 =	sld [smem:$0x3FA8]  }
0x31: {  	[smem:$0x3FB1] =	sst s10  }
0x32: {  	s10 =	sld [smem:$0x3FAF];
	_ =	sdelay $0x3  }
0x33: {  	p0 =	seq.s32 s10, $0x1;
	s10 =	sld [smem:$0x3FB1];
	_ =	sdelay $0x3  }
0x34: {  	[smem:$0x3FB1] =	sst s10  }
0x35: {  	s10 =	sld [smem:$0x3FB0];
	_ =	sdelay $0x3  }
0x36: {  	p1 =	seq.s32 s10, $0x1;
	s10 =	sld [smem:$0x3FB1];
	_ =	sdelay $0x3  }
0x37: {  	[smem:$0x3FB1] =	sst s10  }
0x38: {  	s10 =	sld [smem:$0x3FB2]  }
0x39: {  	_ = 	snop;
	(pc) =	sbr.ind lr, $3  }
0x3a: {  	_ = 	snop  }
0x3b: {  	_ = 	snop  }
0x3c: {  	p2 =	seq.s32 s10, $0x1;
	s10 =	sld [smem:$0x3FB1]  }
0x3d: {  	_ =	shalt  }
0x3e: {  	_ =	shalt  }
0x3f: {  	_ =	shalt  }
0x40: {  	_ =	shalt  }
0x41: {  	_ =	shalt  }
0x42: {  	_ =	shalt  }
0x43: {  	_ =	shalt  }
0x44: {  	_ =	shalt  }
0x45: {  	_ =	shalt  }
0x46: {  	_ =	shalt  }
0x47: {  	_ =	shalt  }
0x48: {  	_ =	shalt  }
0x49: {  	_ =	shalt  }
0x4a: {  	_ =	shalt  }
0x4b: {  	_ =	shalt  }
0x4c: {  	_ =	shalt  }
0x4d: {  	_ =	shalt  }
0x4e: {  	_ =	shalt  }
0x4f: {  	_ =	shalt  }
0x50: {  	_ =	shalt  }
0x51: {  	_ =	shalt  }
0x52: {  	_ =	shalt  }
0x53: {  	_ =	shalt  }
0x54: {  	_ =	shalt  }
0x55: {  	_ =	shalt  }
0x56: {  	_ =	shalt  }
0x57: {  	_ =	shalt  }
0x58: {  	_ =	shalt  }
0x59: {  	_ =	shalt  }
0x5a: {  	_ =	shalt  }
0x5b: {  	_ =	shalt  }
0x5c: {  	_ =	shalt  }
0x5d: {  	_ =	shalt  }
0x5e: {  	_ =	shalt  }
0x5f: {  	_ =	shalt  }
0x60: {  	_ =	shalt  }
0x61: {  	_ =	shalt  }
0x62: {  	_ =	shalt  }
0x63: {  	_ =	shalt  }
0x64: {  	_ =	shalt  }
0x65: {  	_ =	shalt  }
0x66: {  	_ =	shalt  }
0x67: {  	_ =	shalt  }
0x68: {  	_ =	shalt  }
0x69: {  	_ =	shalt  }
0x6a: {  	_ =	shalt  }
0x6b: {  	_ =	shalt  }
0x6c: {  	_ =	shalt  }
0x6d: {  	_ =	shalt  }
0x6e: {  	_ =	shalt  }
0x6f: {  	_ =	shalt  }
0x70: {  	_ =	shalt  }
0x71: {  	_ =	shalt  }
0x72: {  	_ =	shalt  }
0x73: {  	_ =	shalt  }
0x74: {  	_ =	shalt  }
0x75: {  	_ =	shalt  }
0x76: {  	_ =	shalt  }
0x77: {  	_ =	shalt  }
0x78: {  	_ =	shalt  }
0x79: {  	_ =	shalt  }
0x7a: {  	_ =	shalt  }
0x7b: {  	_ =	shalt  }
0x7c: {  	_ =	shalt  }
0x7d: {  	_ =	shalt  }
0x7e: {  	_ =	shalt  }
0x7f: {  	_ =	shalt  }
0x80: {  	_ =	shalt  }
0x81: {  	_ =	shalt  }
0x82: {  	_ =	shalt  }
0x83: {  	_ =	shalt  }
0x84: {  	_ =	shalt  }
0x85: {  	_ =	shalt  }
0x86: {  	_ =	shalt  }
0x87: {  	_ =	shalt  }
.Lfunc_end0:
.L_simem_size_0:
called_computation.2_lowered:
.L_overlay_start_0:
0x88: {  	s2 =	sld [smem:$0x3FD9]  }
0x89: {  	s3 =	sld [smem:$0x3FFE];
	_ =	sdelay $0x1  }
0x8a: {  	s1 =	srdreg.scid  }
0x8b: {  	s0 =	sand.u32 $0x1, s1  }
0x8c: {  	s17 =	sshll.u32 s0, $0xA;
	s2 =	sadd.s32 s3, s2  }
0x8d: {  	s2 =	sadd.s32 s2, s17  }
0x8e: {  	[smem:$0x3FBD] =	sst s2  }
0x8f: {  	_ = 	snop  }
0x90: {  	s2 =	sld [smem:$0x3FD0];
	(tm) =	ssettm $0x1  }
0x91: {  	s18 =	sld [smem:$0x3FFB];
	_ =	sdelay $0x3  }
0x92: {  	_ =	strace s18  }
0x93: {  	s3 =	sld [smem:$0x3FFC];
	_ =	sdelay $0x3  }
0x94: {  	_ =	strace s3  }
0x95: {  	s3 =	sld [smem:$0x3FFD];
	_ =	sdelay $0x3  }
0x96: {  	_ =	strace s3  }
0x97: {  	_ =	strace $0x8FFFFFFF  }
0x98: {  	s19 =	sld [smem:$0x3FDB];
	_ =	sdelay $0x1  }
0x99: {  	s4 =	simm.s32 $_scs_section_size  }
0x9a: {  	s5 =	simm.s32 $_size__tile_overlayer_lowered;
	s6 =	simm.s32 $_tile_overlayer_lowered  }
0x9b: {  	s22 =	simm.s32 $0x1BFF;
	s21 =	sshll.u32 s6, $0x1;
	s3 =	sadd.s32 s4, s19  }
0x9c: {  	s7 =	simm.s32 $0x0;
	s20 =	sshll.u32 s5, $0x1;
	s5 =	sadd.s32 s21, s3  }
0x9d: {  	[timem:s7], [sflag:s22] =	dma.local [hbm:s5], s20  }
0x9e: {  	_ =	swait.ge [sflag:s22], s20  }
0x9f: {  	s4 =	ssub.s32 $0x0, s20;
	[sflag:s22] =	ssyncset.done $0x0  }
0xa0: {  	[sflag:s22] =	ssyncadd.s32 s4;
	_ =	sdelay $0x1  }
0xa1: {  	s23 =	simm.s32 $0x1B8B  }
0xa2: {  	_ =	swait.ge [sflag:s23], $0x1  }
0xa3: {  	[sflag:s23] =	ssyncset.done $0x0  }
0xa4: {  	s25 =	simm.s32 $0x1B8E;
	s24 =	sld [smem:$0x3FFE];
	[sflag:s23] =	ssyncadd.s32 $0xFFFFFFFF  }
0xa5: {  	s26 =	simm.s32 $execute0_lowered;
	[smem:$0x3FD2] =	sst s25  }
0xa6: {  	s5 =	sshll.u32 s26, $0x1;
	_ =	strace $0x8000004C;
	[dreg:$0x1] =	wrdreg $0xFFFFFFFF  }
0xa7: {  	s28 =	simm.s32 $_size_execute0_lowered;
	s3 =	sadd.s32 s3, s5;
	[dreg:$0x0] =	wrdreg $0x0  }
0xa8: {  	s5 =	sshll.u32 s28, $0x1;
	[dreg:$0x2] =	wrdreg s3  }
0xa9: {  	[dreg:$0x3] =	wrdreg s5  }
0xaa: {  	[dreg:$0x4] =	wrdreg $0xC0  }
0xab: {  	_ =	task [dreg:s7], $0x5FFFF  }
0xac: {  	[dreg:$0x1] =	wrdreg $0xFFFFFFFF  }
0xad: {  	[dreg:$0x0] =	wrdreg $0x60  }
0xae: {  	[dreg:$0x2] =	wrdreg s24  }
0xaf: {  	[dreg:$0x3] =	wrdreg s2  }
0xb0: {  	[dreg:$0x4] =	wrdreg $0x0  }
0xb1: {  	[dreg:$0x5] =	wrdreg $0x9  }
0xb2: {  	_ =	task.clear_ibuf [dreg:s7], $0x6FFFF;
	_ =	strace $0x9000004C  }
0xb3: {  	s29 =	simm.s32 $0x9;
	_ =	strace $0x8000004E  }
0xb4: {  	_ =	swait.ge [sflag:s29], $0x1  }
0xb5: {  	[sflag:s29] =	ssyncadd.s32 $0xFFFFFFFF  }
0xb6: {  	_ =	strace $0x9000004E  }
0xb7: {  	_ =	sfence  }
0xb8: {  	s30 =	sld [smem:$0x0];
	_ =	sdelay $0x2  }
0xb9: {  	s31 =	sshll.u32 s1, $0xD;
	s1 =	sshrl.u32 s1, $0x2  }
0xba: {  	s3 =	sand.u32 $0x4000, s31;
	s1 =	sadd.s32 s1, s30  }
0xbb: {  	s0 =	sor.u32 s3, s0;
	s1 =	sshll.u32 s1, $0x11  }
0xbc: {  	s0 =	sor.u32 s1, s0  }
0xbd: {  	s0 =	sadd.s32 $0x8F2B, s0  }
0xbe: {  	[sflag:s0] =	ssyncadd.remote.s32 $0x1  }
0xbf: {  	_ =	sfence.sel $0xFFFF  }
0xc0: {  	[dreg:$0x0] =	wrdreg $0xFFFFFFFF;
	(pc) =	sbr.abs _section_cstart, $3  }
0xc1: {  	[dreg:$0x1] =	wrdreg $0xFFFFFFFF  }
0xc2: {  	_ =	task.clear_ibuf [dreg:s7], $0x2FFFF;
	_ =	strace $0x9FFFFFFF  }
0xc3: {  	(tm) =	ssettm $0x7FFFFFFF  }
tec
execute0_lowered:
.L_overlay_start_1:
0x0: {  	(tag) =	ssettag $0x1  }
0x1: {  	s6 =	rddreg [dreg:$0x0]  }
0x2: {  	s1 =	rddreg [dreg:$0x1]  }
0x3: {  	s0 =	srdreg.scid;
	s2 =	rddreg [dreg:$0x2]  }
0x4: {  	s4 =	simm.s32 $0x0;
	s3 =	stileid.u32;
	s15 =	simm.s32 $0x2  }
0x5: {  	s16 =	simm.s32 $0x9CE0;
	s17 =	simm.s32 $0x80;
	s9 =	smul.u32 $0x27000, s3  }
0x6: {  	s18 =	simm.s32 $0x9D60;
	s19 =	simm.s32 $0x1;
	s29 =	smul.u32 $0x1380, s3  }
0x7: {  	s7 =	sand.u32 $0x1, s0;
	s0 =	rddreg [dreg:$0x3];
	s30 =	smul.u32 $0xA00, s3  }
0x8: {  	s20 =	simm.s32 $0x0;
	[smem:$0x7FF] =	sst s4;
	s5 =	smul.u32 $0xA000, s7  }
0x9: {  	s14 =	sadd.s32 $0x92400, s2;
	p0 =	seq.s32 s3, $0xF;
	s11 =	smul.u32 $0x13880, s7  }
0xa: {  	_ =	strace $0x8000004D;
	s10 =	ssub.s32 $0x2, s7;
	s7 =	smul.u32 $0x9C400, s7  }
0xb: {  	s12 =	sshrl.u32 s10, $0x1;
	s9 =	sshrl.u32 s9, $0x2;
	s8 =	sadd.s32 s5, s6  }
0xc: {  	s5 =	sadd.s32 $0x1600, s6;
	s6 =	sadd.s32 $0xEDA00, s6;
	s10 =	ssub.s32 s10, s12  }
0xd: {  	s13 =	sadd.s32 s9, s2;
	s7 =	sshrl.u32 s7, $0x3;
	s11 =	sadd.s32 s29, s11  }
0xe: {  	s12 =	sshll.u32 @!p0 s3, $0x6;
	s7 =	sadd.s32 s6, s7;
	s6 =	sadd.s32 s6, s11  }
0xf: {  	s31 =	sadd.s32 s30, s8;
	s8 =	smax.u32 s10, $0x1;
	s11 =	sshrl.u32 @p0 s14, $0x3  }
0x10: {  	s12 =	sor.u32 @!p0 $0x1C02, s12;
	s13 =	sshrl.u32 @!p0 s13, $0x3;
	s14 =	simm.s32 $0x9C60  }
0x11: {  	s7 =	sadd.s32 $0x12480, s7;
	s9 =	sadd.s32 $0x29600, s31;
	s10 =	sadd.s32 $0x3D600, s31  }
.LBB2_1:
0x12: {  	s21 =	simm.s32 @p0 $0x1FC2  }
0x13: {  	[spmem:s11], [sflag:s21] =	dma.local @p0 [hbm:s1], $0x1400  }
0x14: {  	s21 =	simm.s32 @p0 $0x2  }
0x15: {  	_ =	swait.ge @p0 [sflag:s21], $0x1400  }
0x16: {  	[sflag:s21] =	ssyncset.done @p0 $0x0  }
0x17: {  	[sflag:s21] =	ssyncadd.s32 @p0 $0xFFFFEC00;
	s21 =	simm.s32 @!p0 $0x2  }
0x18: {  	[spmem:s13], [sflag:s12] =	dma.local @!p0 [hbm:s1], $0x1380  }
0x19: {  	_ =	swait.ge @!p0 [sflag:s21], $0x1380  }
0x1a: {  	[sflag:s21] =	ssyncset.done @!p0 $0x0  }
0x1b: {  	[sflag:s21] =	ssyncadd.s32 @!p0 $0xFFFFEC80  }
0x1c: {  	s30 =	sadd.s32 $0x0, s10;
	[bflag:$0x0] =	sbarrier.arrive $0xFFFF  }
0x1d: {  	[tilespmem:s14], [sflag:$0x2] =	stream.linear.gather [hbm4b:s30+s4], $0x80, $0x38;
	[tilespmem:$0xBD60] =	vst v63  }
0x1e: {  	_ =	swait.ge [sflag:s15], $0x80  }
0x1f: {  	[sflag:s15] =	ssyncset.done $0x0  }
0x20: {  	s31 =	sadd.s32 $0x0, s9;
	[sflag:s15] =	ssyncadd.s32 $0xFFFFFF80  }
0x21: {  	[tilespmem:s16], [sflag:$0x2] =	stream.linear.gather [hbm4b:s31+s4], $0x80, $0x38;
	[tilespmem:$0xBD60] =	vst v63  }
0x22: {  	_ =	swait.ge [sflag:s15], $0x80  }
0x23: {  	[sflag:s15] =	ssyncset.done $0x0  }
0x24: {  	[sflag:s15] =	ssyncadd.s32 $0xFFFFFF80  }
0x25: {  	[tilespmem:s18], [sflag:$0x1] =	stream.indirect.gather [hbm4b:s5+s17], $0x40, s14, s17, $0xb8;
	[tilespmem:$0xBD60] =	vst v63  }
0x26: {  	_ =	swait.ge [sflag:s19], $0x2000  }
0x27: {  	[sflag:s19] =	ssyncset.done $0x0  }
0x28: {  	[sflag:s19] =	ssyncadd.s32 $0xFFFFE000  }
0x29: {  	[spmem:s2] =	stream.indirect.scatter.add.f32 [tilespmem:s18], [sflag:$0x2], $0x40, s16, s17, $0xb8;
	[tilespmem:$0xBD60] =	vst v63  }
0x2a: {  	_ =	swait.ge [sflag:s15], $0x2000  }
0x2b: {  	s22 =	simm.s32 $0x20;
	s21 =	simm.s32 $0x10;
	[sflag:s15] =	ssyncset.done $0x0  }
.LBB2_2:
0x2c: {  	s23 =	sadd.s32 s21, s10  }
0x2d: {  	[sflag:s15] =	ssyncadd.s32 $0xFFFFE000;
	s24 =	smov.u32 s22;
	s25 =	sadd.s32 $0x10, s22  }
0x2e: {  	[tilespmem:s14], [sflag:$0x2] =	stream.linear.gather [hbm4b:s23+s4], $0x80, $0x38;
	[tilespmem:$0xBD60] =	vst v63  }
0x2f: {  	p1 =	sne.s32 s22, $0x9F0;
	_ =	swait.ge [sflag:s15], $0x80  }
0x30: {  	[sflag:s15] =	ssyncset.done $0x0  }
0x31: {  	s22 =	sadd.s32 s21, s9;
	s21 =	smov.u32 s24;
	[sflag:s15] =	ssyncadd.s32 $0xFFFFFF80  }
0x32: {  	[tilespmem:s16], [sflag:$0x2] =	stream.linear.gather [hbm4b:s22+s4], $0x80, $0x38;
	[tilespmem:$0xBD60] =	vst v63  }
0x33: {  	_ =	swait.ge [sflag:s15], $0x80  }
0x34: {  	[sflag:s15] =	ssyncset.done $0x0  }
0x35: {  	[sflag:s15] =	ssyncadd.s32 $0xFFFFFF80  }
0x36: {  	[tilespmem:s18], [sflag:$0x1] =	stream.indirect.gather [hbm4b:s5+s17], $0x40, s14, s17, $0xb8;
	[tilespmem:$0xBD60] =	vst v63  }
0x37: {  	_ =	swait.ge [sflag:s19], $0x2000  }
.Ltmp0:
0x38: {  	[sflag:s19] =	ssyncset.done $0x0;
	(pc) =	sbr.rel @p1 .LBB2_2-.Ltmp0, $4  }
0x39: {  	[sflag:s19] =	ssyncadd.s32 $0xFFFFE000  }
0x3a: {  	[spmem:s2] =	stream.indirect.scatter.add.f32 [tilespmem:s18], [sflag:$0x2], $0x40, s16, s17, $0xb8;
	[tilespmem:$0xBD60] =	vst v63  }
0x3b: {  	_ =	swait.ge [sflag:s15], $0x2000  }
0x3c: {  	s22 =	smov.u32 s25;
	[sflag:s15] =	ssyncset.done $0x0  }
0x3d: {  	s22 =	sadd.s32 s21, s10;
	[sflag:s15] =	ssyncadd.s32 $0xFFFFE000  }
0x3e: {  	[tilespmem:s14], [sflag:$0x2] =	stream.linear.gather [hbm4b:s22+s4], $0x80, $0x38;
	[tilespmem:$0xBD60] =	vst v63  }
0x3f: {  	_ =	swait.ge [sflag:s15], $0x80  }
0x40: {  	[sflag:s15] =	ssyncset.done $0x0  }
0x41: {  	s31 =	sadd.s32 s21, s9;
	[sflag:s15] =	ssyncadd.s32 $0xFFFFFF80  }
0x42: {  	[tilespmem:s16], [sflag:$0x2] =	stream.linear.gather [hbm4b:s31+s4], $0x80, $0x38;
	[tilespmem:$0xBD60] =	vst v63  }
0x43: {  	_ =	swait.ge [sflag:s15], $0x80  }
0x44: {  	[sflag:s15] =	ssyncset.done $0x0  }
0x45: {  	[sflag:s15] =	ssyncadd.s32 $0xFFFFFF80  }
0x46: {  	[tilespmem:s18], [sflag:$0x1] =	stream.indirect.gather [hbm4b:s5+s17], $0x40, s14, s17, $0xb8;
	[tilespmem:$0xBD60] =	vst v63  }
0x47: {  	_ =	swait.ge [sflag:s19], $0x2000  }
0x48: {  	[sflag:s19] =	ssyncset.done $0x0  }
0x49: {  	[sflag:s19] =	ssyncadd.s32 $0xFFFFE000  }
0x4a: {  	[spmem:s2] =	stream.indirect.scatter.add.f32 [tilespmem:s18], [sflag:$0x2], $0x40, s16, s17, $0xb8;
	[tilespmem:$0xBD60] =	vst v63  }
0x4b: {  	_ =	swait.ge [sflag:s15], $0x2000  }
0x4c: {  	[sflag:s15] =	ssyncset.done $0x0  }
0x4d: {  	[sflag:s15] =	ssyncadd.s32 $0xFFFFE000  }
0x4e: {  	s21 =	simm.s32 @p0 $0x1FC2;
	[bflag:$0x0] =	sbarrier.arrive $0xFFFF  }
0x4f: {  	[hbm:s7], [sflag:s21] =	dma.local @p0 [spmem:s11], $0x1400  }
0x50: {  	s21 =	simm.s32 @p0 $0x2  }
0x51: {  	s20 =	sadd.s32 $0x1, s20;
	_ =	swait.ge @p0 [sflag:s21], $0x1400  }
0x52: {  	p1 =	sne.s32 s20, s8;
	[sflag:s21] =	ssyncset.done @p0 $0x0  }
.Ltmp1:
0x53: {  	[sflag:s21] =	ssyncadd.s32 @p0 $0xFFFFEC00;
	s21 =	simm.s32 @!p0 $0x2;
	(pc) =	sbr.rel @p1 .LBB2_1-.Ltmp1, $4  }
0x54: {  	[hbm:s6], [sflag:s12] =	dma.local @!p0 [spmem:s13], $0x1380  }
0x55: {  	_ =	swait.ge @!p0 [sflag:s21], $0x1380  }
0x56: {  	[sflag:s21] =	ssyncset.done @!p0 $0x0  }
0x57: {  	[sflag:s21] =	ssyncadd.s32 @!p0 $0xFFFFEC80  }
0x58: {  	_ =	sfence.sel $0x180000  }
0x59: {  	[bflag:$0x0] =	sbarrier.arrive $0xFFFF  }
0x5a: {  	p0 =	sne.s32 s3, $0x0;
	_ =	strace $0x9000004D  }
0x5b: {  	s0 =	sadd.s32 @!p0 $0x100000, s0;
	[bflag:$0x2] =	sbarrier.arrive $0xFFFF  }
0x5c: {  	[sflag:s0] =	ssyncadd.tile.s32 @!p0 $0x1;
	_ =	shalt  }
.Lfunc_end2:
_tile_overlayer_lowered:
.L_overlay_start_2:
0x5d: {  	(tag) =	ssettag $0x2  }
0x5e: {  	s0 =	rddreg [dreg:$0x0];
	s2 =	stileid.u32  }
0x5f: {  	s1 =	rddreg [dreg:$0x1];
	p0 =	sne.s32 s2, $0x0  }
0x60: {  	s3 =	rddreg [dreg:$0x2];
	[bflag:$0x3] =	sbarrier.arrive $0xFFFF;
	s2 =	simm.s32 @!p0 $0x1C02  }
0x61: {  	[timem:s3], [sflag:s2] =	dma.local @!p0 [hbm:s0], s1  }
0x62: {  	s0 =	simm.s32 @!p0 $0x2  }
0x63: {  	_ =	swait.ge @!p0 [sflag:s0], s1  }
0x64: {  	s1 =	ssub.s32 @!p0 $0x0, s1;
	[sflag:s0] =	ssyncset.done @!p0 $0x0  }
0x65: {  	[sflag:s0] =	ssyncadd.s32 @!p0 s1  }
0x66: {  	[bflag:$0x3] =	sbarrier.arrive $0xFFFF  }
0x67: {  	_ =	shalt  }

// kernel: kernel.8.cloned.1.call-start
scs
__scs_entry_jumppad:
0x0: {  	(pc) =	sbr.rel $0x88, $3  }
0x1: {  	(tag) =	ssettag $0x0;
	lr =	simm.s32 $0x1  }
0x2: {  	[smem:$0x3F96] =	sst lr;
	_ =	strace $0xD0000000  }
0x3: {  	_ = 	snop  }
0x4: {  	_ = 	snop  }
0x5: {  	_ = 	snop  }
0x6: {  	_ = 	snop  }
0x7: {  	_ = 	snop  }
__scs_overlays_trampoline_lowered:
0x8: {  	[smem:$0x3FA5] =	sst s0  }
0x9: {  	[smem:$0x3FA6] =	sst s1  }
0xa: {  	[smem:$0x3FA7] =	sst s2  }
0xb: {  	[smem:$0x3FA8] =	sst s3  }
0xc: {  	[smem:$0x3FA9] =	sst s4  }
0xd: {  	[smem:$0x3FAA] =	sst s5  }
0xe: {  	[smem:$0x3FAB] =	sst s6  }
0xf: {  	[smem:$0x3FAC] =	sst s7  }
0x10: {  	[smem:$0x3FAD] =	sst s8  }
0x11: {  	[smem:$0x3FAE] =	sst s9;
	s0 =	simm.s32 @!p0 $0x0  }
0x12: {  	s1 =	sld [smem:$0x3F94];
	s0 =	simm.s32 @p0 $0x1  }
0x13: {  	[smem:$0x3FAF] =	sst s0;
	s0 =	simm.s32 @!p1 $0x0  }
0x14: {  	s2 =	sld [smem:$0x3F93];
	s0 =	simm.s32 @p1 $0x1  }
0x15: {  	[smem:$0x3FB0] =	sst s0;
	s0 =	simm.s32 @!p2 $0x0  }
0x16: {  	s3 =	sld [smem:$0x3FDB];
	s0 =	simm.s32 @p2 $0x1  }
0x17: {  	s4 =	simm.s32 $0x1BF5;
	[smem:$0x3FB2] =	sst s0  }
0x18: {  	s0 =	sld [smem:$0x3F95];
	_ =	swait.ge [sflag:s4], $0x0  }
0x19: {  	s7 =	sld [smem:$0x3F96]  }
0x1a: {  	s8 =	sadd.s32 $0xFFFFE003, lr  }
0x1b: {  	s9 =	sadd.s32 $0xFFFFFEF7, lr;
	s5 =	simm.s32 $0xFFFFFFFF;
	p2 =	slt.u32 s8, $0xFFFFF086  }
0x1c: {  	p1 =	slt.u32 s9, $0xF7A;
	s5 =	simm.s32 @!p2 $0x0  }
0x1d: {  	s5 =	simm.s32 @p1 $0x1;
	p0 =	seq.s32 s7, s2  }
0x1e: {  	s7 =	smul.u32 @!p0 $0xF7A, s2;
	p2 =	seq.s32 @!p0 s5, $0x0  }
0x1f: {  	s9 =	smul.u32 $0xF7A, s1;
	s8 =	simm.s32 @!p0 $0x1BF5;
	p2 =	por !p2, p0  }
0x20: {  	[sflag:s8] =	ssyncset.s32 @!p0 $0xFFFFF086;
	s6 =	sadd.s32 @!p0 s3, s7;
	s7 =	simm.s32 @!p0 $0x108  }
0x21: {  	s3 =	sadd.s32 s3, s9;
	s6 =	sadd.s32 @!p0 $0x88, s6;
	s7 =	simm.s32 @p2 $0x1082  }
0x22: {  	[simem:s7], [sflag:s8] =	dma.local @!p0 [hbm:s6], $0xF7A  }
0x23: {  	s9 =	sor.u32 $0xD0000000, s2;
	s6 =	simm.s32 $0x108;
	_ =	swait.ge @!p0 [sflag:s8], $0x0  }
0x24: {  	s3 =	sadd.s32 $0x88, s3;
	s6 =	simm.s32 @!p1 $0x1082;
	[sflag:s4] =	ssyncset.s32 $0xFFFFF086  }
0x25: {  	[simem:s6], [sflag:s4] =	dma.local [hbm:s3], $0xF7A  }
0x26: {  	[smem:$0x3F96] =	sst s1;
	(tag) =	ssettag s2;
	_ =	strace s9  }
0x27: {  	s1 =	sld [smem:$0x3FA6]  }
0x28: {  	s2 =	sld [smem:$0x3FA7]  }
0x29: {  	s4 =	sld [smem:$0x3FA9]  }
0x2a: {  	p0 =	seq.s32 s5, $0x0;
	s5 =	sld [smem:$0x3FAA]  }
0x2b: {  	s6 =	sld [smem:$0x3FAB]  }
0x2c: {  	s7 =	sld [smem:$0x3FAC]  }
0x2d: {  	s3 =	simm.s32 $0x108;
	s8 =	sld [smem:$0x3FAD]  }
0x2e: {  	s3 =	simm.s32 @!p0 $0x1082;
	s9 =	sld [smem:$0x3FAE]  }
0x2f: {  	lr =	sadd.s32 s0, s3;
	s0 =	sld [smem:$0x3FA5]  }
0x30: {  	s3 =	sld [smem:$0x3FA8]  }
0x31: {  	[smem:$0x3FB1] =	sst s10  }
0x32: {  	s10 =	sld [smem:$0x3FAF];
	_ =	sdelay $0x3  }
0x33: {  	p0 =	seq.s32 s10, $0x1;
	s10 =	sld [smem:$0x3FB1];
	_ =	sdelay $0x3  }
0x34: {  	[smem:$0x3FB1] =	sst s10  }
0x35: {  	s10 =	sld [smem:$0x3FB0];
	_ =	sdelay $0x3  }
0x36: {  	p1 =	seq.s32 s10, $0x1;
	s10 =	sld [smem:$0x3FB1];
	_ =	sdelay $0x3  }
0x37: {  	[smem:$0x3FB1] =	sst s10  }
0x38: {  	s10 =	sld [smem:$0x3FB2]  }
0x39: {  	_ = 	snop;
	(pc) =	sbr.ind lr, $3  }
0x3a: {  	_ = 	snop  }
0x3b: {  	_ = 	snop  }
0x3c: {  	p2 =	seq.s32 s10, $0x1;
	s10 =	sld [smem:$0x3FB1]  }
0x3d: {  	_ =	shalt  }
0x3e: {  	_ =	shalt  }
0x3f: {  	_ =	shalt  }
0x40: {  	_ =	shalt  }
0x41: {  	_ =	shalt  }
0x42: {  	_ =	shalt  }
0x43: {  	_ =	shalt  }
0x44: {  	_ =	shalt  }
0x45: {  	_ =	shalt  }
0x46: {  	_ =	shalt  }
0x47: {  	_ =	shalt  }
0x48: {  	_ =	shalt  }
0x49: {  	_ =	shalt  }
0x4a: {  	_ =	shalt  }
0x4b: {  	_ =	shalt  }
0x4c: {  	_ =	shalt  }
0x4d: {  	_ =	shalt  }
0x4e: {  	_ =	shalt  }
0x4f: {  	_ =	shalt  }
0x50: {  	_ =	shalt  }
0x51: {  	_ =	shalt  }
0x52: {  	_ =	shalt  }
0x53: {  	_ =	shalt  }
0x54: {  	_ =	shalt  }
0x55: {  	_ =	shalt  }
0x56: {  	_ =	shalt  }
0x57: {  	_ =	shalt  }
0x58: {  	_ =	shalt  }
0x59: {  	_ =	shalt  }
0x5a: {  	_ =	shalt  }
0x5b: {  	_ =	shalt  }
0x5c: {  	_ =	shalt  }
0x5d: {  	_ =	shalt  }
0x5e: {  	_ =	shalt  }
0x5f: {  	_ =	shalt  }
0x60: {  	_ =	shalt  }
0x61: {  	_ =	shalt  }
0x62: {  	_ =	shalt  }
0x63: {  	_ =	shalt  }
0x64: {  	_ =	shalt  }
0x65: {  	_ =	shalt  }
0x66: {  	_ =	shalt  }
0x67: {  	_ =	shalt  }
0x68: {  	_ =	shalt  }
0x69: {  	_ =	shalt  }
0x6a: {  	_ =	shalt  }
0x6b: {  	_ =	shalt  }
0x6c: {  	_ =	shalt  }
0x6d: {  	_ =	shalt  }
0x6e: {  	_ =	shalt  }
0x6f: {  	_ =	shalt  }
0x70: {  	_ =	shalt  }
0x71: {  	_ =	shalt  }
0x72: {  	_ =	shalt  }
0x73: {  	_ =	shalt  }
0x74: {  	_ =	shalt  }
0x75: {  	_ =	shalt  }
0x76: {  	_ =	shalt  }
0x77: {  	_ =	shalt  }
0x78: {  	_ =	shalt  }
0x79: {  	_ =	shalt  }
0x7a: {  	_ =	shalt  }
0x7b: {  	_ =	shalt  }
0x7c: {  	_ =	shalt  }
0x7d: {  	_ =	shalt  }
0x7e: {  	_ =	shalt  }
0x7f: {  	_ =	shalt  }
0x80: {  	_ =	shalt  }
0x81: {  	_ =	shalt  }
0x82: {  	_ =	shalt  }
0x83: {  	_ =	shalt  }
0x84: {  	_ =	shalt  }
0x85: {  	_ =	shalt  }
0x86: {  	_ =	shalt  }
0x87: {  	_ =	shalt  }
.Lfunc_end0:
.L_simem_size_0:
called_computation_lowered:
.L_overlay_start_0:
0x88: {  	s2 =	sld [smem:$0x3FD9]  }
0x89: {  	s3 =	sld [smem:$0x3FFE];
	_ =	sdelay $0x1  }
0x8a: {  	s1 =	srdreg.scid  }
0x8b: {  	s0 =	sand.u32 $0x1, s1  }
0x8c: {  	s17 =	sshll.u32 s0, $0xA;
	s2 =	sadd.s32 s3, s2  }
0x8d: {  	s2 =	sadd.s32 s2, s17  }
0x8e: {  	[smem:$0x3FBD] =	sst s2  }
0x8f: {  	_ = 	snop  }
0x90: {  	s2 =	sld [smem:$0x3FD0];
	(tm) =	ssettm $0x1  }
0x91: {  	s18 =	sld [smem:$0x3FFB];
	_ =	sdelay $0x3  }
0x92: {  	_ =	strace s18  }
0x93: {  	s3 =	sld [smem:$0x3FFC];
	_ =	sdelay $0x3  }
0x94: {  	_ =	strace s3  }
0x95: {  	s3 =	sld [smem:$0x3FFD];
	_ =	sdelay $0x3  }
0x96: {  	_ =	strace s3  }
0x97: {  	_ =	strace $0x8FFFFFFF  }
0x98: {  	s19 =	sld [smem:$0x3FDB];
	_ =	sdelay $0x1  }
0x99: {  	s4 =	simm.s32 $_scs_section_size  }
0x9a: {  	s5 =	simm.s32 $_size__tile_overlayer_lowered;
	s6 =	simm.s32 $_tile_overlayer_lowered  }
0x9b: {  	s22 =	simm.s32 $0x1BFF;
	s21 =	sshll.u32 s6, $0x1;
	s3 =	sadd.s32 s4, s19  }
0x9c: {  	s7 =	simm.s32 $0x0;
	s20 =	sshll.u32 s5, $0x1;
	s5 =	sadd.s32 s21, s3  }
0x9d: {  	[timem:s7], [sflag:s22] =	dma.local [hbm:s5], s20  }
0x9e: {  	_ =	swait.ge [sflag:s22], s20  }
0x9f: {  	s4 =	ssub.s32 $0x0, s20;
	[sflag:s22] =	ssyncset.done $0x0  }
0xa0: {  	[sflag:s22] =	ssyncadd.s32 s4;
	_ =	sdelay $0x1  }
0xa1: {  	s23 =	simm.s32 $0x1B8B  }
0xa2: {  	_ =	swait.ge [sflag:s23], $0x1  }
0xa3: {  	[sflag:s23] =	ssyncset.done $0x0  }
0xa4: {  	s25 =	simm.s32 $0x1B8E;
	s24 =	sld [smem:$0x3FFE];
	[sflag:s23] =	ssyncadd.s32 $0xFFFFFFFF  }
0xa5: {  	s26 =	simm.s32 $execute0_lowered;
	[smem:$0x3FD2] =	sst s25  }
0xa6: {  	s5 =	sshll.u32 s26, $0x1;
	_ =	strace $0x80000046;
	[dreg:$0x1] =	wrdreg $0xFFFFFFFF  }
0xa7: {  	s28 =	simm.s32 $_size_execute0_lowered;
	s3 =	sadd.s32 s3, s5;
	[dreg:$0x0] =	wrdreg $0x0  }
0xa8: {  	s5 =	sshll.u32 s28, $0x1;
	[dreg:$0x2] =	wrdreg s3  }
0xa9: {  	[dreg:$0x3] =	wrdreg s5  }
0xaa: {  	[dreg:$0x4] =	wrdreg $0xC0  }
0xab: {  	_ =	task [dreg:s7], $0x5FFFF  }
0xac: {  	[dreg:$0x1] =	wrdreg $0xFFFFFFFF  }
0xad: {  	[dreg:$0x0] =	wrdreg $0x60  }
0xae: {  	[dreg:$0x2] =	wrdreg s24  }
0xaf: {  	[dreg:$0x3] =	wrdreg s2  }
0xb0: {  	[dreg:$0x4] =	wrdreg $0x0  }
0xb1: {  	[dreg:$0x5] =	wrdreg $0x4E280  }
0xb2: {  	[dreg:$0x6] =	wrdreg $0x9  }
0xb3: {  	_ =	task.clear_ibuf [dreg:s7], $0x7FFFF;
	_ =	strace $0x90000046  }
0xb4: {  	s29 =	simm.s32 $0x9;
	_ =	strace $0x80000048  }
0xb5: {  	_ =	swait.ge [sflag:s29], $0x1  }
0xb6: {  	[sflag:s29] =	ssyncadd.s32 $0xFFFFFFFF  }
0xb7: {  	_ =	strace $0x90000048  }
0xb8: {  	_ =	sfence  }
0xb9: {  	s30 =	sld [smem:$0x0];
	_ =	sdelay $0x2  }
0xba: {  	s31 =	sshll.u32 s1, $0xD;
	s1 =	sshrl.u32 s1, $0x2  }
0xbb: {  	s3 =	sand.u32 $0x4000, s31;
	s1 =	sadd.s32 s1, s30  }
0xbc: {  	s0 =	sor.u32 s3, s0;
	s1 =	sshll.u32 s1, $0x11  }
0xbd: {  	s0 =	sor.u32 s1, s0  }
0xbe: {  	s0 =	sadd.s32 $0x8F2B, s0  }
0xbf: {  	[sflag:s0] =	ssyncadd.remote.s32 $0x1  }
0xc0: {  	_ =	sfence.sel $0xFFFF  }
0xc1: {  	[dreg:$0x0] =	wrdreg $0xFFFFFFFF;
	(pc) =	sbr.abs _section_cstart, $3  }
0xc2: {  	[dreg:$0x1] =	wrdreg $0xFFFFFFFF  }
0xc3: {  	_ =	task.clear_ibuf [dreg:s7], $0x2FFFF;
	_ =	strace $0x9FFFFFFF  }
0xc4: {  	(tm) =	ssettm $0x7FFFFFFF  }
0xc5: {  	_ =	shalt  }
tec
execute0_lowered:
.L_overlay_start_1:
0x0: {  	(tag) =	ssettag $0x1  }
0x1: {  	s6 =	rddreg [dreg:$0x0]  }
0x2: {  	s12 =	rddreg [dreg:$0x1];
	s0 =	srdreg.scid  }
0x3: {  	s2 =	rddreg [dreg:$0x2];
	s17 =	stileid.u32  }
0x4: {  	s3 =	rddreg [dreg:$0x3];
	s4 =	simm.s32 $0x0;
	s7 =	smul.u32 $0xA0, s17  }
0x5: {  	s28 =	simm.s32 $0x0;
	s9 =	sand.u32 $0x1, s0;
	s10 =	smul.u32 $0x4E00, s17  }
0x6: {  	[smem:$0x7FF] =	sst s4;
	s14 =	smul.u32 $0x270, s17;
	s18 =	sadd.s32 $0x49200, s2  }
0x7: {  	s19 =	sadd.s32 $0x49200, s3;
	p0 =	seq.s32 s17, $0xF;
	s5 =	smul.u32 $0xA00, s9  }
0x8: {  	s17 =	simm.s32 $0x13C50;
	_ =	strace $0x80000047;
	s11 =	smul.u32 $0x2710, s9  }
0x9: {  	s24 =	ssub.s32 $0x2, s9;
	s15 =	smul.u32 $0x27100, s9;
	s18 =	sshrl.u32 @p0 s18, $0x3  }
0xa: {  	s19 =	sshrl.u32 @p0 s19, $0x3;
	s13 =	sshrl.u32 s24, $0x1;
	s20 =	sadd.s32 s10, s2  }
0xb: {  	s21 =	sadd.s32 s10, s3;
	s5 =	sadd.s32 s7, s5;
	s13 =	ssub.s32 s24, s13  }
0xc: {  	s11 =	sadd.s32 s14, s11;
	s16 =	sadd.s32 $0x24900, s15;
	s31 =	sshrl.u32 s15, $0x3  }
0xd: {  	s15 =	simm.s32 $0x1;
	s20 =	sshrl.u32 @!p0 s20, $0x3;
	s21 =	sshrl.u32 @!p0 s21, $0x3  }
0xe: {  	s5 =	sshll.u32 s5, $0x4;
	s14 =	sshll.u32 s11, $0x4;
	s25 =	sshll.u32 s11, $0x1  }
0xf: {  	s30 =	sshrl.u32 s16, $0x3;
	s22 =	sadd.s32 s16, s2;
	s23 =	sadd.s32 s16, s3  }
0x10: {  	s13 =	smax.u32 s13, $0x1;
	s16 =	simm.s32 $0xEC50;
	s8 =	sadd.s32 s5, s6  }
0x11: {  	s5 =	sadd.s32 $0x52000, s6;
	s6 =	sadd.s32 $0x51600, s6;
	s26 =	sshrl.u32 s14, $0x3  }
0x12: {  	s9 =	sadd.s32 s12, s25;
	s24 =	sadd.s32 s14, s2;
	s25 =	sadd.s32 s14, s3  }
0x13: {  	s11 =	sadd.s32 s12, s30;
	s22 =	sshrl.u32 @p0 s22, $0x3;
	s23 =	sshrl.u32 @p0 s23, $0x3  }
0x14: {  	s7 =	sadd.s32 $0x15600, s8;
	s8 =	sadd.s32 $0x1600, s8;
	s29 =	sadd.s32 s12, s26  }
0x15: {  	s12 =	sadd.s32 s12, s31;
	s24 =	sshrl.u32 @!p0 s24, $0x3;
	s25 =	sshrl.u32 @!p0 s25, $0x3  }
0x16: {  	s26 =	simm.s32 $0x80;
	s10 =	sadd.s32 $0x9C40, s29;
	s12 =	sadd.s32 $0xE560, s12  }
.LBB2_1:
0x17: {  	s0 =	simm.s32 $0x9C50  }
0x18: {  	[tilespmem:s0], [sflag:$0x1] =	stream.linear.gather [hbm4b:s7+s4], $0x5000, $0x38;
	[tilespmem:$0x14450] =	vst v63  }
0x19: {  	_ =	swait.ge [sflag:s15], $0x5000  }
0x1a: {  	[sflag:s15] =	ssyncset.done $0x0  }
0x1b: {  	[sflag:s15] =	ssyncadd.s32 $0xFFFFB000  }
0x1c: {  	[tilespmem:s16], [sflag:$0x1] =	stream.linear.gather [hbm4b:s8+s4], $0x5000, $0x38;
	[tilespmem:$0x14450] =	vst v63  }
0x1d: {  	_ =	swait.ge [sflag:s15], $0x5000  }
0x1e: {  	[sflag:s15] =	ssyncset.done $0x0  }
0x1f: {  	[sflag:s15] =	ssyncadd.s32 $0xFFFFB000  }
0x20: {  	[tilespmem:s17], [sflag:$0x1] =	stream.linear.gather [hbm4b:s5+s4], $0x800, $0x38;
	[tilespmem:$0x14450] =	vst v63  }
0x21: {  	_ =	swait.ge [sflag:s15], $0x800  }
0x22: {  	[sflag:s15] =	ssyncset.done $0x0  }
0x23: {  	s29 =	simm.s32 @p0 $0x1FC1;
	s30 =	simm.s32 @p0 $0x1;
	[sflag:s15] =	ssyncadd.s32 $0xFFFFF800  }
0x24: {  	[spmem:s18], [sflag:s29] =	dma.local @p0 [hbm:s6], $0xA00  }
0x25: {  	_ =	swait.ge @p0 [sflag:s30], $0xA00  }
0x26: {  	[sflag:s30] =	ssyncset.done @p0 $0x0  }
0x27: {  	[sflag:s30] =	ssyncadd.s32 @p0 $0xFFFFF600  }
0x28: {  	[spmem:s19], [sflag:s29] =	dma.local @p0 [hbm:s6], $0xA00  }
0x29: {  	s0 =	stileid.u32;
	_ =	swait.ge @p0 [sflag:s30], $0xA00  }
0x2a: {  	s29 =	sshll.u32 @!p0 s0, $0x6;
	[sflag:s30] =	ssyncset.done @p0 $0x0  }
0x2b: {  	s29 =	sor.u32 @!p0 $0x1C01, s29;
	[sflag:s30] =	ssyncadd.s32 @p0 $0xFFFFF600;
	s30 =	simm.s32 @!p0 $0x1  }
0x2c: {  	[spmem:s20], [sflag:s29] =	dma.local @!p0 [hbm:s6], $0x9C0  }
0x2d: {  	_ =	swait.ge @!p0 [sflag:s30], $0x9C0  }
0x2e: {  	[sflag:s30] =	ssyncset.done @!p0 $0x0  }
0x2f: {  	[sflag:s30] =	ssyncadd.s32 @!p0 $0xFFFFF640  }
0x30: {  	[spmem:s21], [sflag:s29] =	dma.local @!p0 [hbm:s6], $0x9C0  }
0x31: {  	_ =	swait.ge @!p0 [sflag:s30], $0x9C0  }
0x32: {  	[sflag:s30] =	ssyncset.done @!p0 $0x0  }
0x33: {  	[sflag:s30] =	ssyncadd.s32 @!p0 $0xFFFFF640  }
0x34: {  	s30 =	simm.s32 $0x9C50;
	[bflag:$0x0] =	sbarrier.arrive $0xFFFF  }
0x35: {  	[spmem:s2] =	stream.indirect.scatter.add.f32 [tilespmem:s17], [sflag:$0x1], $0x10, s30, s26, $0xb8;
	[tilespmem:$0x14450] =	vst v63  }
0x36: {  	_ =	swait.ge [sflag:s15], $0x800  }
0x37: {  	[sflag:s15] =	ssyncset.done $0x0  }
0x38: {  	s30 =	simm.s32 $0xEC50;
	[sflag:s15] =	ssyncadd.s32 $0xFFFFF800  }
0x39: {  	[spmem:s3] =	stream.indirect.scatter.add.f32 [tilespmem:s17], [sflag:$0x1], $0x10, s30, s26, $0xb8;
	[tilespmem:$0x14450] =	vst v63  }
0x3a: {  	_ =	swait.ge [sflag:s15], $0x800  }
0x3b: {  	s31 =	simm.s32 $0x400;
	s30 =	simm.s32 $0x80;
	[sflag:s15] =	ssyncset.done $0x0  }
.LBB2_2:
0x3c: {  	s1 =	sadd.s32 $0x9C50, s30  }
0x3d: {  	[sflag:s15] =	ssyncadd.s32 $0xFFFFF800;
	s0 =	smov.u32 s31;
	s14 =	sadd.s32 $0x200, s31  }
0x3e: {  	[spmem:s2] =	stream.indirect.scatter.add.f32 [tilespmem:s17], [sflag:$0x1], $0x10, s1, s26, $0xb8;
	[tilespmem:$0x14450] =	vst v63  }
0x3f: {  	p1 =	sne.s32 s31, $0x13E00;
	_ =	swait.ge [sflag:s15], $0x800  }
.Ltmp0:
0x40: {  	[sflag:s15] =	ssyncset.done $0x0;
	(pc) =	sbr.rel @p1 .LBB2_2-.Ltmp0, $4  }
0x41: {  	s1 =	sadd.s32 $0xEC50, s30;
	[sflag:s15] =	ssyncadd.s32 $0xFFFFF800  }
0x42: {  	[spmem:s3] =	stream.indirect.scatter.add.f32 [tilespmem:s17], [sflag:$0x1], $0x10, s1, s26, $0xb8;
	[tilespmem:$0x14450] =	vst v63  }
0x43: {  	_ =	swait.ge [sflag:s15], $0x800  }
0x44: {  	s30 =	sshra.s32 s0, $0x2;
	s31 =	smov.u32 s14;
	[sflag:s15] =	ssyncset.done $0x0  }
0x45: {  	s0 =	sadd.s32 $0x9C50, s30;
	[sflag:s15] =	ssyncadd.s32 $0xFFFFF800  }
0x46: {  	[spmem:s2] =	stream.indirect.scatter.add.f32 [tilespmem:s17], [sflag:$0x1], $0x10, s0, s26, $0xb8;
	[tilespmem:$0x14450] =	vst v63  }
0x47: {  	_ =	swait.ge [sflag:s15], $0x800  }
0x48: {  	[sflag:s15] =	ssyncset.done $0x0  }
0x49: {  	s31 =	sadd.s32 $0xEC50, s30;
	[sflag:s15] =	ssyncadd.s32 $0xFFFFF800  }
0x4a: {  	[spmem:s3] =	stream.indirect.scatter.add.f32 [tilespmem:s17], [sflag:$0x1], $0x10, s31, s26, $0xb8;
	[tilespmem:$0x14450] =	vst v63  }
0x4b: {  	_ =	swait.ge [sflag:s15], $0x800  }
0x4c: {  	[sflag:s15] =	ssyncset.done $0x0  }
0x4d: {  	[sflag:s15] =	ssyncadd.s32 $0xFFFFF800  }
0x4e: {  	s1 =	simm.s32 @p0 $0x1;
	s0 =	simm.s32 @p0 $0x1FC1;
	[bflag:$0x0] =	sbarrier.arrive $0xFFFF  }
0x4f: {  	[hbm:s11], [sflag:s0] =	dma.local @p0 [spmem:s22], $0x500  }
0x50: {  	_ =	swait.ge @p0 [sflag:s1], $0x500  }
0x51: {  	[sflag:s1] =	ssyncset.done @p0 $0x0  }
0x52: {  	[sflag:s1] =	ssyncadd.s32 @p0 $0xFFFFFB00  }
0x53: {  	[hbm:s12], [sflag:s0] =	dma.local @p0 [spmem:s23], $0x500  }
0x54: {  	_ =	swait.ge @p0 [sflag:s1], $0x500  }
0x55: {  	[sflag:s1] =	ssyncset.done @p0 $0x0  }
0x56: {  	s0 =	simm.s32 @!p0 $0x1;
	[sflag:s1] =	ssyncadd.s32 @p0 $0xFFFFFB00  }
0x57: {  	[hbm:s9], [sflag:s29] =	dma.local @!p0 [spmem:s24], $0x4E0  }
0x58: {  	s28 =	sadd.s32 $0x1, s28;
	_ =	swait.ge @!p0 [sflag:s0], $0x4E0  }
0x59: {  	p1 =	sne.s32 s28, s13;
	[sflag:s0] =	ssyncset.done @!p0 $0x0  }
.Ltmp1:
0x5a: {  	[sflag:s0] =	ssyncadd.s32 @!p0 $0xFFFFFB20;
	(pc) =	sbr.rel @p1 .LBB2_1-.Ltmp1, $4  }
0x5b: {  	[hbm:s10], [sflag:s29] =	dma.local @!p0 [spmem:s25], $0x4E0  }
0x5c: {  	_ =	swait.ge @!p0 [sflag:s0], $0x4E0  }
0x5d: {  	[sflag:s0] =	ssyncset.done @!p0 $0x0  }
0x5e: {  	[sflag:s0] =	ssyncadd.s32 @!p0 $0xFFFFFB20  }
0x5f: {  	_ =	sfence.sel $0x180000  }
0x60: {  	[bflag:$0x0] =	sbarrier.arrive $0xFFFF  }
0x61: {  	_ =	strace $0x90000047  }
0x62: {  	s0 =	stileid.u32;
	[bflag:$0x2] =	sbarrier.arrive $0xFFFF  }
0x63: {  	p0 =	sne.s32 s0, $0x0;
	s0 =	rddreg [dreg:$0x4]  }
0x64: {  	s0 =	sadd.s32 @!p0 $0x100000, s0  }
0x65: {  	[sflag:s0] =	ssyncadd.tile.s32 @!p0 $0x1;
	_ =	shalt  }
.Lfunc_end2:
_tile_overlayer_lowered:
.L_overlay_start_2:
0x66: {  	(tag) =	ssettag $0x2  }
0x67: {  	s0 =	rddreg [dreg:$0x0];
	s2 =	stileid.u32  }
0x68: {  	s1 =	rddreg [dreg:$0x1];
	p0 =	sne.s32 s2, $0x0  }
0x69: {  	s3 =	rddreg [dreg:$0x2];
	[bflag:$0x3] =	sbarrier.arrive $0xFFFF;
	s2 =	simm.s32 @!p0 $0x1C01  }
0x6a: {  	[timem:s3], [sflag:s2] =	dma.local @!p0 [hbm:s0], s1  }
0x6b: {  	s0 =	simm.s32 @!p0 $0x1  }
0x6c: {  	_ =	swait.ge @!p0 [sflag:s0], s1  }
0x6d: {  	s1 =	ssub.s32 @!p0 $0x0, s1;
	[sflag:s0] =	ssyncset.done @!p0 $0x0  }
0x6e: {  	[sflag:s0] =	ssyncadd.s32 @!p0 s1  }
0x6f: {  	[bflag:$0x3] =	sbarrier.arrive $0xFFFF  }
0x70: {  	_ =	shalt  }

</sc_bundles>
